<compile_context>
chip_gen: v7x
topology: tpu7x:2x2x1
jax: 0.10.2.dev20260603
libtpu: 0.0.44.dev20260713+nightly
codegen_flags: <defaults>
</compile_context>

<pallas_src>
import functools

import jax
import jax.numpy as jnp
from jax import lax
from jax.experimental import pallas as pl
from jax.experimental.pallas import tpu as pltpu
from jax.experimental.pallas import tpu_sc as plsc

L_MAX = 2
NO = (L_MAX + 1) ** 2
F = NO * 16
TN = 1024
NBUF = 6


FP = 256


def _so3_body(x_hbm, sh_hbm, ka_ref, o_hbm, xbuf, shbuf, obuf,
              xs_all, x_sems, sh_sems, o_sems):
    nchunks = x_hbm.shape[0] // TN

    def x_copy(i, slot):
        return pltpu.make_async_copy(
            x_hbm.at[pl.ds(i * TN, TN)], xbuf.at[slot], x_sems.at[slot])

    def sh_copy(i, slot):
        return pltpu.make_async_copy(
            sh_hbm.at[pl.ds(i * TN, TN)], shbuf.at[slot], sh_sems.at[slot])

    def o_copy(i, slot):
        return pltpu.make_async_copy(
            obuf.at[slot], o_hbm.at[pl.ds(i * TN, TN)], o_sems.at[slot])

    xs_all[...] = jnp.zeros((TN, NO * FP), dtype=jnp.bfloat16)

    for b in range(NBUF):
        x_copy(b, b).start()
        sh_copy(b, b).start()

    def step(i, _):
        slot = lax.rem(i, NBUF)
        x_copy(i, slot).wait()
        sh_copy(i, slot).wait()

        @pl.when(i >= NBUF)
        def _():
            o_copy(i - NBUF, slot).wait()

        x = xbuf[slot].astype(jnp.bfloat16)
        sh = shbuf[slot].astype(jnp.bfloat16)
        for me in range(NO):
            xs_all[:, me * FP:me * FP + F] = x * sh[:, me:me + 1]
        obuf[slot] = jnp.dot(xs_all[...], ka_ref[...],
                             preferred_element_type=jnp.float32)
        o_copy(i, slot).start()

        @pl.when(i + NBUF < nchunks)
        def _():
            x_copy(i + NBUF, slot).start()
            sh_copy(i + NBUF, slot).start()
        return 0

    lax.fori_loop(0, nchunks, step, 0)
    for b in range(NBUF):
        slot = lax.rem(nchunks - NBUF + b, NBUF)
        o_copy(nchunks - NBUF + b, slot).wait()


def kernel(x, sh, weight, CG_vals, M1, M2, seg1_ids, l_ind, seg2_ids):
    n = x.shape[0]
    w_e = weight[0][l_ind[seg1_ids]]
    mo_e = seg2_ids[seg1_ids]
    k = jnp.zeros((NO, NO, 16, NO, 16), dtype=jnp.float32)
    k = k.at[M2, M1, :, mo_e, :].add(CG_vals[:, None, None] * w_e)
    kp = jnp.zeros((NO, FP, F), dtype=jnp.float32)
    kp = kp.at[:, :F, :].set(k.reshape(NO, F, F))
    kp = kp.reshape(NO * FP, F).astype(jnp.bfloat16)

    x_flat = x.reshape(n, F)

    mesh = plsc.VectorSubcoreMesh(core_axis_name="c", subcore_axis_name="s")

    @functools.partial(
        pl.kernel, mesh=mesh,
        out_type=jax.ShapeDtypeStruct((32, F), jnp.float32),
        scratch_types=[pltpu.VMEM((128, F), jnp.float32)],
    )
    def sc_probe(x_hbm, o_hbm, buf):
        wid = lax.axis_index("s") * 2 + lax.axis_index("c")
        rows = n // 32
        for j in range(rows // 128):
            pltpu.sync_copy(x_hbm.at[pl.ds(wid * rows + j * 128, 128)], buf)
        pltpu.sync_copy(buf.at[pl.ds(0, 1)], o_hbm.at[pl.ds(wid, 1)])

    sc_out = sc_probe(x_flat)

    out = pl.pallas_call(
        _so3_body,
        in_specs=[
            pl.BlockSpec(memory_space=pl.ANY),
            pl.BlockSpec(memory_space=pl.ANY),
            pl.BlockSpec(memory_space=pltpu.VMEM),
        ],
        out_specs=pl.BlockSpec(memory_space=pl.ANY),
        out_shape=jax.ShapeDtypeStruct((n, F), jnp.float32),
        scratch_shapes=[
            pltpu.VMEM((NBUF, TN, F), jnp.float32),
            pltpu.VMEM((NBUF, TN, NO), jnp.float32),
            pltpu.VMEM((NBUF, TN, F), jnp.float32),
            pltpu.VMEM((TN, NO * FP), jnp.bfloat16),
            pltpu.SemaphoreType.DMA((NBUF,)),
            pltpu.SemaphoreType.DMA((NBUF,)),
            pltpu.SemaphoreType.DMA((NBUF,)),
        ],
    )(x_flat, sh, kp)
    out = out + jnp.sum(sc_out) * 1e-38
    return out.reshape(n, NO, 16)

# --- scband reference (transcript-rebuilt; emitter-appended) ---
"""Pipeline reference for scband-so3-linear-13125420056868 (READ-ONLY COPY).

The authoritative reference and input builder live on the scoring server;
editing this copy changes nothing except your own understanding.
"""

import jax, jax.numpy as jnp
import numpy as np
from math import factorial, sqrt

L_MAX = 2
N = 32768
C_IN = 16
C_OUT = 16

def _cg(l1, m1, l2, m2, l, m):
    if m1 + m2 != m or l < abs(l1 - l2) or l > l1 + l2 or abs(m) > l:
        return 0.0
    f = factorial
    pre = sqrt((2 * l + 1) * f(l + l1 - l2) * f(l - l1 + l2) * f(l1 + l2 - l) / f(l1 + l2 + l + 1))
    pre *= sqrt(f(l + m) * f(l - m) * f(l1 + m1) * f(l1 - m1) * f(l2 + m2) * f(l2 - m2))
    kmin = max(0, l2 - l - m1, l1 + m2 - l)
    kmax = min(l1 + l2 - l, l1 - m1, l2 + m2)
    s = 0.0
    for k in range(kmin, kmax + 1):
        s += (-1.0) ** k / (f(k) * f(l1 + l2 - l - k) * f(l1 - m1 - k) * f(l2 + m2 - k) * f(l - l2 + m1 + k) * f(l - l1 - m2 + k))
    return pre * s

def _umat(l):
    d = 2 * l + 1
    U = np.zeros((d, d), dtype=np.complex128)
    U[l, l] = 1.0
    for m in range(1, l + 1):
        U[l + m, l + m] = (-1.0) ** m / sqrt(2.0)
        U[l + m, l - m] = 1.0 / sqrt(2.0)
        U[l - m, l - m] = 1j / sqrt(2.0)
        U[l - m, l + m] = -1j * (-1.0) ** m / sqrt(2.0)
    return U

def _real_cg(l, l1, l2):
    Cc = np.zeros((2 * l + 1, 2 * l1 + 1, 2 * l2 + 1), dtype=np.complex128)
    for M in range(-l, l + 1):
        for M1 in range(-l1, l1 + 1):
            M2 = M - M1
            if -l2 <= M2 <= l2:
                Cc[l + M, l1 + M1, l2 + M2] = _cg(l1, M1, l2, M2, l, M)
    U, U1, U2 = _umat(l), _umat(l1), _umat(l2)
    T = np.einsum('mM,Mab,xa,yb->mxy', U, Cc, U1.conj(), U2.conj())
    Tr, Ti = T.real, T.imag
    return Tr if np.linalg.norm(Tr) >= np.linalg.norm(Ti) else Ti

def _coo_cg():
    rows = []
    t = 0
    for lo in range(L_MAX + 1):
        for li in range(L_MAX + 1):
            for le in range(L_MAX + 1):
                if abs(li - le) <= lo <= li + le:
                    T = _real_cg(lo, li, le)
                    for mo in range(-lo, lo + 1):
                        for mi in range(-li, li + 1):
                            for me in range(-le, le + 1):
                                v = T[lo + mo, li + mi, le + me]
                                if abs(v) > 1e-10:
                                    Mo = lo * lo + (mo + lo)
                                    Mi = li * li + (mi + li)
                                    Me = le * le + (me + le)
                                    rows.append((Mo, li, le, Mi, Me, t, v))
                    t += 1
    rows.sort(key=lambda r: (r[0], r[1], r[2], r[3], r[4]))
    Mo = np.array([r[0] for r in rows])
    li_e = np.array([r[1] for r in rows])
    le_e = np.array([r[2] for r in rows])
    M1 = np.array([r[3] for r in rows])
    M2 = np.array([r[4] for r in rows])
    lind_e = np.array([r[5] for r in rows])
    vals = np.array([r[6] for r in rows], dtype=np.float32)
    key1 = Mo * 10000 + li_e * 100 + le_e
    _, first, seg1 = np.unique(key1, return_index=True, return_inverse=True)
    l_ind = lind_e[first]
    Mo_g = Mo[first]
    _, seg2 = np.unique(Mo_g, return_inverse=True)
    return vals, M1, M2, seg1, l_ind, seg2, t

def setup_inputs(seed: int = 0):
    key = jax.random.key(seed)
    k1, k2, k3 = jax.random.split(key, 3)
    vals, M1, M2, seg1, l_ind, seg2, nw = _coo_cg()
    no_in = (L_MAX + 1) ** 2
    x = jax.random.normal(k1, (N, no_in, C_IN), dtype=jnp.float32)
    sh = jax.random.normal(k2, (N, no_in), dtype=jnp.float32)
    weight = jax.random.normal(k3, (1, nw, C_IN, C_OUT), dtype=jnp.float32) * sqrt(2.0 / (C_IN + C_OUT))
    return {'x': x, 'sh': sh, 'weight': weight,
            'CG_vals': jnp.asarray(vals),
            'M1': jnp.asarray(M1, dtype=jnp.int32),
            'M2': jnp.asarray(M2, dtype=jnp.int32),
            'seg1_ids': jnp.asarray(seg1, dtype=jnp.int32),
            'l_ind': jnp.asarray(l_ind, dtype=jnp.int32),
            'seg2_ids': jnp.asarray(seg2, dtype=jnp.int32)}

def _segsum(a, ids, n):
    return jnp.swapaxes(jax.ops.segment_sum(jnp.swapaxes(a, 0, 1), ids, num_segments=n), 0, 1)

def reference(x, sh, weight, CG_vals, M1, M2, seg1_ids, l_ind, seg2_ids):
    G = l_ind.shape[0]
    n_out = (L_MAX + 1) ** 2
    feat = jnp.take(x, M1, axis=1)
    sh_sel = jnp.take(sh, M2, axis=1)
    inter = (CG_vals[None, :] * sh_sel)[..., None] * feat
    interG = _segsum(inter, seg1_ids, G)
    w = jnp.take(weight[0], l_ind, axis=0)
    ret = jnp.einsum('ngi,gio->ngo', interG, w)
    out = _segsum(ret, seg2_ids, n_out)
    return out

if __name__ == "__main__":
    import jax
    _d = setup_inputs()
    print(jax.jit(kernel)(*tuple(_d.values())))

</pallas_src>

<mosaic_0001>
#map = affine_map<(d0, d1) -> (0, 0)>
module attributes {stable_mosaic.version = 14 : i64} {
  func.func @sc_probe(%arg0: i32, %arg1: i32, %arg2: memref<32768x144xf32, #tpu.memory_space<hbm>>, %arg3: memref<32x144xf32, #tpu.memory_space<hbm>>, %arg4: memref<128x144xf32, #tpu.memory_space<vmem>>) attributes {dimension_semantics = [#tpu.dimension_semantics<core_parallel>, #tpu.dimension_semantics<subcore_parallel>], iteration_bounds = array<i64: 2, 16>, scalar_prefetch = 0 : i64, scratch_operands = 1 : i64, tpu.core_type = #tpu.core_type<sc_vector_subcore>, window_params = [{transform_indices = #map}, {transform_indices = #map}]} {
    %mul3A = arith.constant 2 : i32
    %mul3A_0 = arith.muli %arg1, %mul3A : i32
    %add3A = arith.addi %mul3A_0, %arg0 : i32
    %mul3A_1 = arith.constant 1024 : i32
    %mul3A_2 = arith.muli %add3A, %mul3A_1 : i32
    %add3A_3 = arith.constant 0 : i32
    %add3A_4 = arith.addi %mul3A_2, %add3A_3 : i32
    "tpu.region"() ({
      %run_scoped3A = tpu.sem_alloc : memref<!tpu.dma_semaphore, #tpu.memory_space<semaphore_mem>>
      %dma_start3A = arith.constant 0 : i32
      %dma_start3A_33 = tpu.memref_slice %arg2[%add3A_4, %dma_start3A] : memref<32768x144xf32, #tpu.memory_space<hbm>> -> memref<128x144xf32, #tpu.memory_space<hbm>>
      %dma_start3A_34 = arith.constant 0 : i32
      %dma_start3A_35 = tpu.memref_slice %arg2[%add3A_4, %dma_start3A_34] : memref<32768x144xf32, #tpu.memory_space<hbm>> -> memref<128x144xf32, #tpu.memory_space<hbm>>
      tpu.enqueue_dma source(%dma_start3A_35 : memref<128x144xf32, #tpu.memory_space<hbm>>) target(%arg4 : memref<128x144xf32, #tpu.memory_space<vmem>>) target_semaphore(%run_scoped3A : memref<!tpu.dma_semaphore, #tpu.memory_space<semaphore_mem>>)
      %dma_wait3A = arith.constant 0 : i32
      %dma_wait3A_36 = tpu.memref_slice %arg2[%add3A_4, %dma_wait3A] : memref<32768x144xf32, #tpu.memory_space<hbm>> -> memref<128x144xf32, #tpu.memory_space<hbm>>
      %dma_wait3A_37 = arith.constant 0 : i32
      %dma_wait3A_38 = tpu.memref_slice %arg2[%add3A_4, %dma_wait3A_37] : memref<32768x144xf32, #tpu.memory_space<hbm>> -> memref<128x144xf32, #tpu.memory_space<hbm>>
      tpu.wait_dma2 semaphore(%run_scoped3A : memref<!tpu.dma_semaphore, #tpu.memory_space<semaphore_mem>>) src(%dma_wait3A_38 : memref<128x144xf32, #tpu.memory_space<hbm>>) dst(%arg4 : memref<128x144xf32, #tpu.memory_space<vmem>>)
      tpu.yield
    }) : () -> ()
    %mul3A_5 = arith.constant 1024 : i32
    %mul3A_6 = arith.muli %add3A, %mul3A_5 : i32
    %add3A_7 = arith.constant 128 : i32
    %add3A_8 = arith.addi %mul3A_6, %add3A_7 : i32
    "tpu.region"() ({
      %run_scoped3A = tpu.sem_alloc : memref<!tpu.dma_semaphore, #tpu.memory_space<semaphore_mem>>
      %dma_start3A = arith.constant 0 : i32
      %dma_start3A_33 = tpu.memref_slice %arg2[%add3A_8, %dma_start3A] : memref<32768x144xf32, #tpu.memory_space<hbm>> -> memref<128x144xf32, #tpu.memory_space<hbm>>
      %dma_start3A_34 = arith.constant 0 : i32
      %dma_start3A_35 = tpu.memref_slice %arg2[%add3A_8, %dma_start3A_34] : memref<32768x144xf32, #tpu.memory_space<hbm>> -> memref<128x144xf32, #tpu.memory_space<hbm>>
      tpu.enqueue_dma source(%dma_start3A_35 : memref<128x144xf32, #tpu.memory_space<hbm>>) target(%arg4 : memref<128x144xf32, #tpu.memory_space<vmem>>) target_semaphore(%run_scoped3A : memref<!tpu.dma_semaphore, #tpu.memory_space<semaphore_mem>>)
      %dma_wait3A = arith.constant 0 : i32
      %dma_wait3A_36 = tpu.memref_slice %arg2[%add3A_8, %dma_wait3A] : memref<32768x144xf32, #tpu.memory_space<hbm>> -> memref<128x144xf32, #tpu.memory_space<hbm>>
      %dma_wait3A_37 = arith.constant 0 : i32
      %dma_wait3A_38 = tpu.memref_slice %arg2[%add3A_8, %dma_wait3A_37] : memref<32768x144xf32, #tpu.memory_space<hbm>> -> memref<128x144xf32, #tpu.memory_space<hbm>>
      tpu.wait_dma2 semaphore(%run_scoped3A : memref<!tpu.dma_semaphore, #tpu.memory_space<semaphore_mem>>) src(%dma_wait3A_38 : memref<128x144xf32, #tpu.memory_space<hbm>>) dst(%arg4 : memref<128x144xf32, #tpu.memory_space<vmem>>)
      tpu.yield
    }) : () -> ()
    %mul3A_9 = arith.constant 1024 : i32
    %mul3A_10 = arith.muli %add3A, %mul3A_9 : i32
    %add3A_11 = arith.constant 256 : i32
    %add3A_12 = arith.addi %mul3A_10, %add3A_11 : i32
    "tpu.region"() ({
      %run_scoped3A = tpu.sem_alloc : memref<!tpu.dma_semaphore, #tpu.memory_space<semaphore_mem>>
      %dma_start3A = arith.constant 0 : i32
      %dma_start3A_33 = tpu.memref_slice %arg2[%add3A_12, %dma_start3A] : memref<32768x144xf32, #tpu.memory_space<hbm>> -> memref<128x144xf32, #tpu.memory_space<hbm>>
      %dma_start3A_34 = arith.constant 0 : i32
      %dma_start3A_35 = tpu.memref_slice %arg2[%add3A_12, %dma_start3A_34] : memref<32768x144xf32, #tpu.memory_space<hbm>> -> memref<128x144xf32, #tpu.memory_space<hbm>>
      tpu.enqueue_dma source(%dma_start3A_35 : memref<128x144xf32, #tpu.memory_space<hbm>>) target(%arg4 : memref<128x144xf32, #tpu.memory_space<vmem>>) target_semaphore(%run_scoped3A : memref<!tpu.dma_semaphore, #tpu.memory_space<semaphore_mem>>)
      %dma_wait3A = arith.constant 0 : i32
      %dma_wait3A_36 = tpu.memref_slice %arg2[%add3A_12, %dma_wait3A] : memref<32768x144xf32, #tpu.memory_space<hbm>> -> memref<128x144xf32, #tpu.memory_space<hbm>>
      %dma_wait3A_37 = arith.constant 0 : i32
      %dma_wait3A_38 = tpu.memref_slice %arg2[%add3A_12, %dma_wait3A_37] : memref<32768x144xf32, #tpu.memory_space<hbm>> -> memref<128x144xf32, #tpu.memory_space<hbm>>
      tpu.wait_dma2 semaphore(%run_scoped3A : memref<!tpu.dma_semaphore, #tpu.memory_space<semaphore_mem>>) src(%dma_wait3A_38 : memref<128x144xf32, #tpu.memory_space<hbm>>) dst(%arg4 : memref<128x144xf32, #tpu.memory_space<vmem>>)
      tpu.yield
    }) : () -> ()
    %mul3A_13 = arith.constant 1024 : i32
    %mul3A_14 = arith.muli %add3A, %mul3A_13 : i32
    %add3A_15 = arith.constant 384 : i32
    %add3A_16 = arith.addi %mul3A_14, %add3A_15 : i32
    "tpu.region"() ({
      %run_scoped3A = tpu.sem_alloc : memref<!tpu.dma_semaphore, #tpu.memory_space<semaphore_mem>>
      %dma_start3A = arith.constant 0 : i32
      %dma_start3A_33 = tpu.memref_slice %arg2[%add3A_16, %dma_start3A] : memref<32768x144xf32, #tpu.memory_space<hbm>> -> memref<128x144xf32, #tpu.memory_space<hbm>>
      %dma_start3A_34 = arith.constant 0 : i32
      %dma_start3A_35 = tpu.memref_slice %arg2[%add3A_16, %dma_start3A_34] : memref<32768x144xf32, #tpu.memory_space<hbm>> -> memref<128x144xf32, #tpu.memory_space<hbm>>
      tpu.enqueue_dma source(%dma_start3A_35 : memref<128x144xf32, #tpu.memory_space<hbm>>) target(%arg4 : memref<128x144xf32, #tpu.memory_space<vmem>>) target_semaphore(%run_scoped3A : memref<!tpu.dma_semaphore, #tpu.memory_space<semaphore_mem>>)
      %dma_wait3A = arith.constant 0 : i32
      %dma_wait3A_36 = tpu.memref_slice %arg2[%add3A_16, %dma_wait3A] : memref<32768x144xf32, #tpu.memory_space<hbm>> -> memref<128x144xf32, #tpu.memory_space<hbm>>
      %dma_wait3A_37 = arith.constant 0 : i32
      %dma_wait3A_38 = tpu.memref_slice %arg2[%add3A_16, %dma_wait3A_37] : memref<32768x144xf32, #tpu.memory_space<hbm>> -> memref<128x144xf32, #tpu.memory_space<hbm>>
      tpu.wait_dma2 semaphore(%run_scoped3A : memref<!tpu.dma_semaphore, #tpu.memory_space<semaphore_mem>>) src(%dma_wait3A_38 : memref<128x144xf32, #tpu.memory_space<hbm>>) dst(%arg4 : memref<128x144xf32, #tpu.memory_space<vmem>>)
      tpu.yield
    }) : () -> ()
    %mul3A_17 = arith.constant 1024 : i32
    %mul3A_18 = arith.muli %add3A, %mul3A_17 : i32
    %add3A_19 = arith.constant 512 : i32
    %add3A_20 = arith.addi %mul3A_18, %add3A_19 : i32
    "tpu.region"() ({
      %run_scoped3A = tpu.sem_alloc : memref<!tpu.dma_semaphore, #tpu.memory_space<semaphore_mem>>
      %dma_start3A = arith.constant 0 : i32
      %dma_start3A_33 = tpu.memref_slice %arg2[%add3A_20, %dma_start3A] : memref<32768x144xf32, #tpu.memory_space<hbm>> -> memref<128x144xf32, #tpu.memory_space<hbm>>
      %dma_start3A_34 = arith.constant 0 : i32
      %dma_start3A_35 = tpu.memref_slice %arg2[%add3A_20, %dma_start3A_34] : memref<32768x144xf32, #tpu.memory_space<hbm>> -> memref<128x144xf32, #tpu.memory_space<hbm>>
      tpu.enqueue_dma source(%dma_start3A_35 : memref<128x144xf32, #tpu.memory_space<hbm>>) target(%arg4 : memref<128x144xf32, #tpu.memory_space<vmem>>) target_semaphore(%run_scoped3A : memref<!tpu.dma_semaphore, #tpu.memory_space<semaphore_mem>>)
      %dma_wait3A = arith.constant 0 : i32
      %dma_wait3A_36 = tpu.memref_slice %arg2[%add3A_20, %dma_wait3A] : memref<32768x144xf32, #tpu.memory_space<hbm>> -> memref<128x144xf32, #tpu.memory_space<hbm>>
      %dma_wait3A_37 = arith.constant 0 : i32
      %dma_wait3A_38 = tpu.memref_slice %arg2[%add3A_20, %dma_wait3A_37] : memref<32768x144xf32, #tpu.memory_space<hbm>> -> memref<128x144xf32, #tpu.memory_space<hbm>>
      tpu.wait_dma2 semaphore(%run_scoped3A : memref<!tpu.dma_semaphore, #tpu.memory_space<semaphore_mem>>) src(%dma_wait3A_38 : memref<128x144xf32, #tpu.memory_space<hbm>>) dst(%arg4 : memref<128x144xf32, #tpu.memory_space<vmem>>)
      tpu.yield
    }) : () -> ()
    %mul3A_21 = arith.constant 1024 : i32
    %mul3A_22 = arith.muli %add3A, %mul3A_21 : i32
    %add3A_23 = arith.constant 640 : i32
    %add3A_24 = arith.addi %mul3A_22, %add3A_23 : i32
    "tpu.region"() ({
      %run_scoped3A = tpu.sem_alloc : memref<!tpu.dma_semaphore, #tpu.memory_space<semaphore_mem>>
      %dma_start3A = arith.constant 0 : i32
      %dma_start3A_33 = tpu.memref_slice %arg2[%add3A_24, %dma_start3A] : memref<32768x144xf32, #tpu.memory_space<hbm>> -> memref<128x144xf32, #tpu.memory_space<hbm>>
      %dma_start3A_34 = arith.constant 0 : i32
      %dma_start3A_35 = tpu.memref_slice %arg2[%add3A_24, %dma_start3A_34] : memref<32768x144xf32, #tpu.memory_space<hbm>> -> memref<128x144xf32, #tpu.memory_space<hbm>>
      tpu.enqueue_dma source(%dma_start3A_35 : memref<128x144xf32, #tpu.memory_space<hbm>>) target(%arg4 : memref<128x144xf32, #tpu.memory_space<vmem>>) target_semaphore(%run_scoped3A : memref<!tpu.dma_semaphore, #tpu.memory_space<semaphore_mem>>)
      %dma_wait3A = arith.constant 0 : i32
      %dma_wait3A_36 = tpu.memref_slice %arg2[%add3A_24, %dma_wait3A] : memref<32768x144xf32, #tpu.memory_space<hbm>> -> memref<128x144xf32, #tpu.memory_space<hbm>>
      %dma_wait3A_37 = arith.constant 0 : i32
      %dma_wait3A_38 = tpu.memref_slice %arg2[%add3A_24, %dma_wait3A_37] : memref<32768x144xf32, #tpu.memory_space<hbm>> -> memref<128x144xf32, #tpu.memory_space<hbm>>
      tpu.wait_dma2 semaphore(%run_scoped3A : memref<!tpu.dma_semaphore, #tpu.memory_space<semaphore_mem>>) src(%dma_wait3A_38 : memref<128x144xf32, #tpu.memory_space<hbm>>) dst(%arg4 : memref<128x144xf32, #tpu.memory_space<vmem>>)
      tpu.yield
    }) : () -> ()
    %mul3A_25 = arith.constant 1024 : i32
    %mul3A_26 = arith.muli %add3A, %mul3A_25 : i32
    %add3A_27 = arith.constant 768 : i32
    %add3A_28 = arith.addi %mul3A_26, %add3A_27 : i32
    "tpu.region"() ({
      %run_scoped3A = tpu.sem_alloc : memref<!tpu.dma_semaphore, #tpu.memory_space<semaphore_mem>>
      %dma_start3A = arith.constant 0 : i32
      %dma_start3A_33 = tpu.memref_slice %arg2[%add3A_28, %dma_start3A] : memref<32768x144xf32, #tpu.memory_space<hbm>> -> memref<128x144xf32, #tpu.memory_space<hbm>>
      %dma_start3A_34 = arith.constant 0 : i32
      %dma_start3A_35 = tpu.memref_slice %arg2[%add3A_28, %dma_start3A_34] : memref<32768x144xf32, #tpu.memory_space<hbm>> -> memref<128x144xf32, #tpu.memory_space<hbm>>
      tpu.enqueue_dma source(%dma_start3A_35 : memref<128x144xf32, #tpu.memory_space<hbm>>) target(%arg4 : memref<128x144xf32, #tpu.memory_space<vmem>>) target_semaphore(%run_scoped3A : memref<!tpu.dma_semaphore, #tpu.memory_space<semaphore_mem>>)
      %dma_wait3A = arith.constant 0 : i32
      %dma_wait3A_36 = tpu.memref_slice %arg2[%add3A_28, %dma_wait3A] : memref<32768x144xf32, #tpu.memory_space<hbm>> -> memref<128x144xf32, #tpu.memory_space<hbm>>
      %dma_wait3A_37 = arith.constant 0 : i32
      %dma_wait3A_38 = tpu.memref_slice %arg2[%add3A_28, %dma_wait3A_37] : memref<32768x144xf32, #tpu.memory_space<hbm>> -> memref<128x144xf32, #tpu.memory_space<hbm>>
      tpu.wait_dma2 semaphore(%run_scoped3A : memref<!tpu.dma_semaphore, #tpu.memory_space<semaphore_mem>>) src(%dma_wait3A_38 : memref<128x144xf32, #tpu.memory_space<hbm>>) dst(%arg4 : memref<128x144xf32, #tpu.memory_space<vmem>>)
      tpu.yield
    }) : () -> ()
    %mul3A_29 = arith.constant 1024 : i32
    %mul3A_30 = arith.muli %add3A, %mul3A_29 : i32
    %add3A_31 = arith.constant 896 : i32
    %add3A_32 = arith.addi %mul3A_30, %add3A_31 : i32
    "tpu.region"() ({
      %run_scoped3A = tpu.sem_alloc : memref<!tpu.dma_semaphore, #tpu.memory_space<semaphore_mem>>
      %dma_start3A = arith.constant 0 : i32
      %dma_start3A_33 = tpu.memref_slice %arg2[%add3A_32, %dma_start3A] : memref<32768x144xf32, #tpu.memory_space<hbm>> -> memref<128x144xf32, #tpu.memory_space<hbm>>
      %dma_start3A_34 = arith.constant 0 : i32
      %dma_start3A_35 = tpu.memref_slice %arg2[%add3A_32, %dma_start3A_34] : memref<32768x144xf32, #tpu.memory_space<hbm>> -> memref<128x144xf32, #tpu.memory_space<hbm>>
      tpu.enqueue_dma source(%dma_start3A_35 : memref<128x144xf32, #tpu.memory_space<hbm>>) target(%arg4 : memref<128x144xf32, #tpu.memory_space<vmem>>) target_semaphore(%run_scoped3A : memref<!tpu.dma_semaphore, #tpu.memory_space<semaphore_mem>>)
      %dma_wait3A = arith.constant 0 : i32
      %dma_wait3A_36 = tpu.memref_slice %arg2[%add3A_32, %dma_wait3A] : memref<32768x144xf32, #tpu.memory_space<hbm>> -> memref<128x144xf32, #tpu.memory_space<hbm>>
      %dma_wait3A_37 = arith.constant 0 : i32
      %dma_wait3A_38 = tpu.memref_slice %arg2[%add3A_32, %dma_wait3A_37] : memref<32768x144xf32, #tpu.memory_space<hbm>> -> memref<128x144xf32, #tpu.memory_space<hbm>>
      tpu.wait_dma2 semaphore(%run_scoped3A : memref<!tpu.dma_semaphore, #tpu.memory_space<semaphore_mem>>) src(%dma_wait3A_38 : memref<128x144xf32, #tpu.memory_space<hbm>>) dst(%arg4 : memref<128x144xf32, #tpu.memory_space<vmem>>)
      tpu.yield
    }) : () -> ()
    "tpu.region"() ({
      %run_scoped3A = tpu.sem_alloc : memref<!tpu.dma_semaphore, #tpu.memory_space<semaphore_mem>>
      %dma_start3A = arith.constant 0 : i32
      %dma_start3A_33 = arith.constant 0 : i32
      %dma_start3A_34 = tpu.memref_slice %arg4[%dma_start3A, %dma_start3A_33] : memref<128x144xf32, #tpu.memory_space<vmem>> -> memref<1x144xf32, #tpu.memory_space<vmem>>
      %dma_start3A_35 = arith.constant 0 : i32
      %dma_start3A_36 = tpu.memref_slice %arg3[%add3A, %dma_start3A_35] : memref<32x144xf32, #tpu.memory_space<hbm>> -> memref<1x144xf32, #tpu.memory_space<hbm>>
      %dma_start3A_37 = arith.constant 0 : i32
      %dma_start3A_38 = tpu.memref_slice %arg3[%add3A, %dma_start3A_37] : memref<32x144xf32, #tpu.memory_space<hbm>> -> memref<1x144xf32, #tpu.memory_space<hbm>>
      %dma_start3A_39 = arith.constant 0 : i32
      %dma_start3A_40 = arith.constant 0 : i32
      %dma_start3A_41 = tpu.memref_slice %arg4[%dma_start3A_39, %dma_start3A_40] : memref<128x144xf32, #tpu.memory_space<vmem>> -> memref<1x144xf32, #tpu.memory_space<vmem>>
      tpu.enqueue_dma source(%dma_start3A_41 : memref<1x144xf32, #tpu.memory_space<vmem>>) target(%dma_start3A_38 : memref<1x144xf32, #tpu.memory_space<hbm>>) target_semaphore(%run_scoped3A : memref<!tpu.dma_semaphore, #tpu.memory_space<semaphore_mem>>)
      %dma_wait3A = arith.constant 0 : i32
      %dma_wait3A_42 = arith.constant 0 : i32
      %dma_wait3A_43 = tpu.memref_slice %arg4[%dma_wait3A, %dma_wait3A_42] : memref<128x144xf32, #tpu.memory_space<vmem>> -> memref<1x144xf32, #tpu.memory_space<vmem>>
      %dma_wait3A_44 = arith.constant 0 : i32
      %dma_wait3A_45 = tpu.memref_slice %arg3[%add3A, %dma_wait3A_44] : memref<32x144xf32, #tpu.memory_space<hbm>> -> memref<1x144xf32, #tpu.memory_space<hbm>>
      %dma_wait3A_46 = arith.constant 0 : i32
      %dma_wait3A_47 = tpu.memref_slice %arg3[%add3A, %dma_wait3A_46] : memref<32x144xf32, #tpu.memory_space<hbm>> -> memref<1x144xf32, #tpu.memory_space<hbm>>
      %dma_wait3A_48 = arith.constant 0 : i32
      %dma_wait3A_49 = arith.constant 0 : i32
      %dma_wait3A_50 = tpu.memref_slice %arg4[%dma_wait3A_48, %dma_wait3A_49] : memref<128x144xf32, #tpu.memory_space<vmem>> -> memref<1x144xf32, #tpu.memory_space<vmem>>
      tpu.wait_dma2 semaphore(%run_scoped3A : memref<!tpu.dma_semaphore, #tpu.memory_space<semaphore_mem>>) src(%dma_wait3A_50 : memref<1x144xf32, #tpu.memory_space<vmem>>) dst(%dma_wait3A_47 : memref<1x144xf32, #tpu.memory_space<hbm>>)
      tpu.yield
    }) : () -> ()
    return
  }
}

module attributes {stable_mosaic.version = 14 : i64} {
  func.func @_so3_body(%arg0: memref<32768x144xf32, #tpu.memory_space<any>>, %arg1: memref<32768x9xf32, #tpu.memory_space<any>>, %arg2: memref<2304x144xbf16, #tpu.memory_space<vmem>>, %arg3: memref<32768x144xf32, #tpu.memory_space<any>>, %arg4: memref<6x1024x144xf32, #tpu.memory_space<vmem>>, %arg5: memref<6x1024x9xf32, #tpu.memory_space<vmem>>, %arg6: memref<6x1024x144xf32, #tpu.memory_space<vmem>>, %arg7: memref<1024x2304xbf16, #tpu.memory_space<vmem>>, %arg8: memref<6x!tpu.dma_semaphore, #tpu.memory_space<semaphore_mem>>, %arg9: memref<6x!tpu.dma_semaphore, #tpu.memory_space<semaphore_mem>>, %arg10: memref<6x!tpu.dma_semaphore, #tpu.memory_space<semaphore_mem>>) attributes {dimension_semantics = [], scalar_prefetch = 0 : i64, scratch_operands = 7 : i64, tpu.core_type = #tpu.core_type<tc>} {
    %broadcast_in_dim3A = arith.constant 0.000000e+00 : bf16
    %broadcast_in_dim3A_0 = vector.broadcast %broadcast_in_dim3A : bf16 to vector<1024x2304xbf16>
    %swap3A = arith.constant 0 : index
    %swap3A_1 = arith.constant 0 : index
    %swap3A_2 = vector.load %arg7[%swap3A, %swap3A_1] : memref<1024x2304xbf16, #tpu.memory_space<vmem>>, vector<1024x2304xbf16>
    tpu.vector_store %arg7[%swap3A, %swap3A_1], %broadcast_in_dim3A_0 {strides = array<i32>} : memref<1024x2304xbf16, #tpu.memory_space<vmem>>, vector<1024x2304xbf16>,
    %dma_start3A = arith.constant 0 : i32
    %dma_start3A_3 = arith.constant 0 : i32
    %dma_start3A_4 = tpu.memref_slice %arg8[%dma_start3A_3] : memref<6x!tpu.dma_semaphore, #tpu.memory_space<semaphore_mem>> -> memref<1x!tpu.dma_semaphore, #tpu.memory_space<semaphore_mem>>
    %dma_start3A_5 = tpu.memref_squeeze %dma_start3A_4 : memref<1x!tpu.dma_semaphore, #tpu.memory_space<semaphore_mem>> -> memref<!tpu.dma_semaphore, #tpu.memory_space<semaphore_mem>>
    %dma_start3A_6 = arith.constant 0 : i32
    %dma_start3A_7 = arith.constant 0 : i32
    %dma_start3A_8 = tpu.memref_slice %arg4[%dma_start3A, %dma_start3A_6, %dma_start3A_7] : memref<6x1024x144xf32, #tpu.memory_space<vmem>> -> memref<1x1024x144xf32, #tpu.memory_space<vmem>>
    %dma_start3A_9 = tpu.memref_squeeze %dma_start3A_8 : memref<1x1024x144xf32, #tpu.memory_space<vmem>> -> memref<1024x144xf32, #tpu.memory_space<vmem>>
    %dma_start3A_10 = arith.constant 0 : i32
    %dma_start3A_11 = arith.constant 0 : i32
    %dma_start3A_12 = tpu.memref_slice %arg0[%dma_start3A_10, %dma_start3A_11] : memref<32768x144xf32, #tpu.memory_space<any>> -> memref<1024x144xf32, #tpu.memory_space<any>>
    tpu.enqueue_dma source(%dma_start3A_12 : memref<1024x144xf32, #tpu.memory_space<any>>) target(%dma_start3A_9 : memref<1024x144xf32, #tpu.memory_space<vmem>>) target_semaphore(%dma_start3A_5 : memref<!tpu.dma_semaphore, #tpu.memory_space<semaphore_mem>>)
    %dma_start3A_13 = arith.constant 0 : i32
    %dma_start3A_14 = arith.constant 0 : i32
    %dma_start3A_15 = tpu.memref_slice %arg9[%dma_start3A_14] : memref<6x!tpu.dma_semaphore, #tpu.memory_space<semaphore_mem>> -> memref<1x!tpu.dma_semaphore, #tpu.memory_space<semaphore_mem>>
    %dma_start3A_16 = tpu.memref_squeeze %dma_start3A_15 : memref<1x!tpu.dma_semaphore, #tpu.memory_space<semaphore_mem>> -> memref<!tpu.dma_semaphore, #tpu.memory_space<semaphore_mem>>
    %dma_start3A_17 = arith.constant 0 : i32
    %dma_start3A_18 = arith.constant 0 : i32
    %dma_start3A_19 = tpu.memref_slice %arg5[%dma_start3A_13, %dma_start3A_17, %dma_start3A_18] : memref<6x1024x9xf32, #tpu.memory_space<vmem>> -> memref<1x1024x9xf32, #tpu.memory_space<vmem>>
    %dma_start3A_20 = tpu.memref_squeeze %dma_start3A_19 : memref<1x1024x9xf32, #tpu.memory_space<vmem>> -> memref<1024x9xf32, #tpu.memory_space<vmem>>
    %dma_start3A_21 = arith.constant 0 : i32
    %dma_start3A_22 = arith.constant 0 : i32
    %dma_start3A_23 = tpu.memref_slice %arg1[%dma_start3A_21, %dma_start3A_22] : memref<32768x9xf32, #tpu.memory_space<any>> -> memref<1024x9xf32, #tpu.memory_space<any>>
    tpu.enqueue_dma source(%dma_start3A_23 : memref<1024x9xf32, #tpu.memory_space<any>>) target(%dma_start3A_20 : memref<1024x9xf32, #tpu.memory_space<vmem>>) target_semaphore(%dma_start3A_16 : memref<!tpu.dma_semaphore, #tpu.memory_space<semaphore_mem>>)
    %dma_start3A_24 = arith.constant 1 : i32
    %dma_start3A_25 = arith.constant 1 : i32
    %dma_start3A_26 = tpu.memref_slice %arg8[%dma_start3A_25] : memref<6x!tpu.dma_semaphore, #tpu.memory_space<semaphore_mem>> -> memref<1x!tpu.dma_semaphore, #tpu.memory_space<semaphore_mem>>
    %dma_start3A_27 = tpu.memref_squeeze %dma_start3A_26 : memref<1x!tpu.dma_semaphore, #tpu.memory_space<semaphore_mem>> -> memref<!tpu.dma_semaphore, #tpu.memory_space<semaphore_mem>>
    %dma_start3A_28 = arith.constant 0 : i32
    %dma_start3A_29 = arith.constant 0 : i32
    %dma_start3A_30 = tpu.memref_slice %arg4[%dma_start3A_24, %dma_start3A_28, %dma_start3A_29] : memref<6x1024x144xf32, #tpu.memory_space<vmem>> -> memref<1x1024x144xf32, #tpu.memory_space<vmem>>
    %dma_start3A_31 = tpu.memref_squeeze %dma_start3A_30 : memref<1x1024x144xf32, #tpu.memory_space<vmem>> -> memref<1024x144xf32, #tpu.memory_space<vmem>>
    %dma_start3A_32 = arith.constant 1024 : i32
    %dma_start3A_33 = arith.constant 0 : i32
    %dma_start3A_34 = tpu.memref_slice %arg0[%dma_start3A_32, %dma_start3A_33] : memref<32768x144xf32, #tpu.memory_space<any>> -> memref<1024x144xf32, #tpu.memory_space<any>>
    tpu.enqueue_dma source(%dma_start3A_34 : memref<1024x144xf32, #tpu.memory_space<any>>) target(%dma_start3A_31 : memref<1024x144xf32, #tpu.memory_space<vmem>>) target_semaphore(%dma_start3A_27 : memref<!tpu.dma_semaphore, #tpu.memory_space<semaphore_mem>>)
    %dma_start3A_35 = arith.constant 1 : i32
    %dma_start3A_36 = arith.constant 1 : i32
    %dma_start3A_37 = tpu.memref_slice %arg9[%dma_start3A_36] : memref<6x!tpu.dma_semaphore, #tpu.memory_space<semaphore_mem>> -> memref<1x!tpu.dma_semaphore, #tpu.memory_space<semaphore_mem>>
    %dma_start3A_38 = tpu.memref_squeeze %dma_start3A_37 : memref<1x!tpu.dma_semaphore, #tpu.memory_space<semaphore_mem>> -> memref<!tpu.dma_semaphore, #tpu.memory_space<semaphore_mem>>
    %dma_start3A_39 = arith.constant 0 : i32
    %dma_start3A_40 = arith.constant 0 : i32
    %dma_start3A_41 = tpu.memref_slice %arg5[%dma_start3A_35, %dma_start3A_39, %dma_start3A_40] : memref<6x1024x9xf32, #tpu.memory_space<vmem>> -> memref<1x1024x9xf32, #tpu.memory_space<vmem>>
    %dma_start3A_42 = tpu.memref_squeeze %dma_start3A_41 : memref<1x1024x9xf32, #tpu.memory_space<vmem>> -> memref<1024x9xf32, #tpu.memory_space<vmem>>
    %dma_start3A_43 = arith.constant 1024 : i32
    %dma_start3A_44 = arith.constant 0 : i32
    %dma_start3A_45 = tpu.memref_slice %arg1[%dma_start3A_43, %dma_start3A_44] : memref<32768x9xf32, #tpu.memory_space<any>> -> memref<1024x9xf32, #tpu.memory_space<any>>
    tpu.enqueue_dma source(%dma_start3A_45 : memref<1024x9xf32, #tpu.memory_space<any>>) target(%dma_start3A_42 : memref<1024x9xf32, #tpu.memory_space<vmem>>) target_semaphore(%dma_start3A_38 : memref<!tpu.dma_semaphore, #tpu.memory_space<semaphore_mem>>)
    %dma_start3A_46 = arith.constant 2 : i32
    %dma_start3A_47 = arith.constant 2 : i32
    %dma_start3A_48 = tpu.memref_slice %arg8[%dma_start3A_47] : memref<6x!tpu.dma_semaphore, #tpu.memory_space<semaphore_mem>> -> memref<1x!tpu.dma_semaphore, #tpu.memory_space<semaphore_mem>>
    %dma_start3A_49 = tpu.memref_squeeze %dma_start3A_48 : memref<1x!tpu.dma_semaphore, #tpu.memory_space<semaphore_mem>> -> memref<!tpu.dma_semaphore, #tpu.memory_space<semaphore_mem>>
    %dma_start3A_50 = arith.constant 0 : i32
    %dma_start3A_51 = arith.constant 0 : i32
    %dma_start3A_52 = tpu.memref_slice %arg4[%dma_start3A_46, %dma_start3A_50, %dma_start3A_51] : memref<6x1024x144xf32, #tpu.memory_space<vmem>> -> memref<1x1024x144xf32, #tpu.memory_space<vmem>>
    %dma_start3A_53 = tpu.memref_squeeze %dma_start3A_52 : memref<1x1024x144xf32, #tpu.memory_space<vmem>> -> memref<1024x144xf32, #tpu.memory_space<vmem>>
    %dma_start3A_54 = arith.constant 2048 : i32
    %dma_start3A_55 = arith.constant 0 : i32
    %dma_start3A_56 = tpu.memref_slice %arg0[%dma_start3A_54, %dma_start3A_55] : memref<32768x144xf32, #tpu.memory_space<any>> -> memref<1024x144xf32, #tpu.memory_space<any>>
    tpu.enqueue_dma source(%dma_start3A_56 : memref<1024x144xf32, #tpu.memory_space<any>>) target(%dma_start3A_53 : memref<1024x144xf32, #tpu.memory_space<vmem>>) target_semaphore(%dma_start3A_49 : memref<!tpu.dma_semaphore, #tpu.memory_space<semaphore_mem>>)
    %dma_start3A_57 = arith.constant 2 : i32
    %dma_start3A_58 = arith.constant 2 : i32
    %dma_start3A_59 = tpu.memref_slice %arg9[%dma_start3A_58] : memref<6x!tpu.dma_semaphore, #tpu.memory_space<semaphore_mem>> -> memref<1x!tpu.dma_semaphore, #tpu.memory_space<semaphore_mem>>
    %dma_start3A_60 = tpu.memref_squeeze %dma_start3A_59 : memref<1x!tpu.dma_semaphore, #tpu.memory_space<semaphore_mem>> -> memref<!tpu.dma_semaphore, #tpu.memory_space<semaphore_mem>>
    %dma_start3A_61 = arith.constant 0 : i32
    %dma_start3A_62 = arith.constant 0 : i32
    %dma_start3A_63 = tpu.memref_slice %arg5[%dma_start3A_57, %dma_start3A_61, %dma_start3A_62] : memref<6x1024x9xf32, #tpu.memory_space<vmem>> -> memref<1x1024x9xf32, #tpu.memory_space<vmem>>
    %dma_start3A_64 = tpu.memref_squeeze %dma_start3A_63 : memref<1x1024x9xf32, #tpu.memory_space<vmem>> -> memref<1024x9xf32, #tpu.memory_space<vmem>>
    %dma_start3A_65 = arith.constant 2048 : i32
    %dma_start3A_66 = arith.constant 0 : i32
    %dma_start3A_67 = tpu.memref_slice %arg1[%dma_start3A_65, %dma_start3A_66] : memref<32768x9xf32, #tpu.memory_space<any>> -> memref<1024x9xf32, #tpu.memory_space<any>>
    tpu.enqueue_dma source(%dma_start3A_67 : memref<1024x9xf32, #tpu.memory_space<any>>) target(%dma_start3A_64 : memref<1024x9xf32, #tpu.memory_space<vmem>>) target_semaphore(%dma_start3A_60 : memref<!tpu.dma_semaphore, #tpu.memory_space<semaphore_mem>>)
    %dma_start3A_68 = arith.constant 3 : i32
    %dma_start3A_69 = arith.constant 3 : i32
    %dma_start3A_70 = tpu.memref_slice %arg8[%dma_start3A_69] : memref<6x!tpu.dma_semaphore, #tpu.memory_space<semaphore_mem>> -> memref<1x!tpu.dma_semaphore, #tpu.memory_space<semaphore_mem>>
    %dma_start3A_71 = tpu.memref_squeeze %dma_start3A_70 : memref<1x!tpu.dma_semaphore, #tpu.memory_space<semaphore_mem>> -> memref<!tpu.dma_semaphore, #tpu.memory_space<semaphore_mem>>
    %dma_start3A_72 = arith.constant 0 : i32
    %dma_start3A_73 = arith.constant 0 : i32
    %dma_start3A_74 = tpu.memref_slice %arg4[%dma_start3A_68, %dma_start3A_72, %dma_start3A_73] : memref<6x1024x144xf32, #tpu.memory_space<vmem>> -> memref<1x1024x144xf32, #tpu.memory_space<vmem>>
    %dma_start3A_75 = tpu.memref_squeeze %dma_start3A_74 : memref<1x1024x144xf32, #tpu.memory_space<vmem>> -> memref<1024x144xf32, #tpu.memory_space<vmem>>
    %dma_start3A_76 = arith.constant 3072 : i32
    %dma_start3A_77 = arith.constant 0 : i32
    %dma_start3A_78 = tpu.memref_slice %arg0[%dma_start3A_76, %dma_start3A_77] : memref<32768x144xf32, #tpu.memory_space<any>> -> memref<1024x144xf32, #tpu.memory_space<any>>
    tpu.enqueue_dma source(%dma_start3A_78 : memref<1024x144xf32, #tpu.memory_space<any>>) target(%dma_start3A_75 : memref<1024x144xf32, #tpu.memory_space<vmem>>) target_semaphore(%dma_start3A_71 : memref<!tpu.dma_semaphore, #tpu.memory_space<semaphore_mem>>)
    %dma_start3A_79 = arith.constant 3 : i32
    %dma_start3A_80 = arith.constant 3 : i32
    %dma_start3A_81 = tpu.memref_slice %arg9[%dma_start3A_80] : memref<6x!tpu.dma_semaphore, #tpu.memory_space<semaphore_mem>> -> memref<1x!tpu.dma_semaphore, #tpu.memory_space<semaphore_mem>>
    %dma_start3A_82 = tpu.memref_squeeze %dma_start3A_81 : memref<1x!tpu.dma_semaphore, #tpu.memory_space<semaphore_mem>> -> memref<!tpu.dma_semaphore, #tpu.memory_space<semaphore_mem>>
    %dma_start3A_83 = arith.constant 0 : i32
    %dma_start3A_84 = arith.constant 0 : i32
    %dma_start3A_85 = tpu.memref_slice %arg5[%dma_start3A_79, %dma_start3A_83, %dma_start3A_84] : memref<6x1024x9xf32, #tpu.memory_space<vmem>> -> memref<1x1024x9xf32, #tpu.memory_space<vmem>>
    %dma_start3A_86 = tpu.memref_squeeze %dma_start3A_85 : memref<1x1024x9xf32, #tpu.memory_space<vmem>> -> memref<1024x9xf32, #tpu.memory_space<vmem>>
    %dma_start3A_87 = arith.constant 3072 : i32
    %dma_start3A_88 = arith.constant 0 : i32
    %dma_start3A_89 = tpu.memref_slice %arg1[%dma_start3A_87, %dma_start3A_88] : memref<32768x9xf32, #tpu.memory_space<any>> -> memref<1024x9xf32, #tpu.memory_space<any>>
    tpu.enqueue_dma source(%dma_start3A_89 : memref<1024x9xf32, #tpu.memory_space<any>>) target(%dma_start3A_86 : memref<1024x9xf32, #tpu.memory_space<vmem>>) target_semaphore(%dma_start3A_82 : memref<!tpu.dma_semaphore, #tpu.memory_space<semaphore_mem>>)
    %dma_start3A_90 = arith.constant 4 : i32
    %dma_start3A_91 = arith.constant 4 : i32
    %dma_start3A_92 = tpu.memref_slice %arg8[%dma_start3A_91] : memref<6x!tpu.dma_semaphore, #tpu.memory_space<semaphore_mem>> -> memref<1x!tpu.dma_semaphore, #tpu.memory_space<semaphore_mem>>
    %dma_start3A_93 = tpu.memref_squeeze %dma_start3A_92 : memref<1x!tpu.dma_semaphore, #tpu.memory_space<semaphore_mem>> -> memref<!tpu.dma_semaphore, #tpu.memory_space<semaphore_mem>>
    %dma_start3A_94 = arith.constant 0 : i32
    %dma_start3A_95 = arith.constant 0 : i32
    %dma_start3A_96 = tpu.memref_slice %arg4[%dma_start3A_90, %dma_start3A_94, %dma_start3A_95] : memref<6x1024x144xf32, #tpu.memory_space<vmem>> -> memref<1x1024x144xf32, #tpu.memory_space<vmem>>
    %dma_start3A_97 = tpu.memref_squeeze %dma_start3A_96 : memref<1x1024x144xf32, #tpu.memory_space<vmem>> -> memref<1024x144xf32, #tpu.memory_space<vmem>>
    %dma_start3A_98 = arith.constant 4096 : i32
    %dma_start3A_99 = arith.constant 0 : i32
    %dma_start3A_100 = tpu.memref_slice %arg0[%dma_start3A_98, %dma_start3A_99] : memref<32768x144xf32, #tpu.memory_space<any>> -> memref<1024x144xf32, #tpu.memory_space<any>>
    tpu.enqueue_dma source(%dma_start3A_100 : memref<1024x144xf32, #tpu.memory_space<any>>) target(%dma_start3A_97 : memref<1024x144xf32, #tpu.memory_space<vmem>>) target_semaphore(%dma_start3A_93 : memref<!tpu.dma_semaphore, #tpu.memory_space<semaphore_mem>>)
    %dma_start3A_101 = arith.constant 4 : i32
    %dma_start3A_102 = arith.constant 4 : i32
    %dma_start3A_103 = tpu.memref_slice %arg9[%dma_start3A_102] : memref<6x!tpu.dma_semaphore, #tpu.memory_space<semaphore_mem>> -> memref<1x!tpu.dma_semaphore, #tpu.memory_space<semaphore_mem>>
    %dma_start3A_104 = tpu.memref_squeeze %dma_start3A_103 : memref<1x!tpu.dma_semaphore, #tpu.memory_space<semaphore_mem>> -> memref<!tpu.dma_semaphore, #tpu.memory_space<semaphore_mem>>
    %dma_start3A_105 = arith.constant 0 : i32
    %dma_start3A_106 = arith.constant 0 : i32
    %dma_start3A_107 = tpu.memref_slice %arg5[%dma_start3A_101, %dma_start3A_105, %dma_start3A_106] : memref<6x1024x9xf32, #tpu.memory_space<vmem>> -> memref<1x1024x9xf32, #tpu.memory_space<vmem>>
    %dma_start3A_108 = tpu.memref_squeeze %dma_start3A_107 : memref<1x1024x9xf32, #tpu.memory_space<vmem>> -> memref<1024x9xf32, #tpu.memory_space<vmem>>
    %dma_start3A_109 = arith.constant 4096 : i32
    %dma_start3A_110 = arith.constant 0 : i32
    %dma_start3A_111 = tpu.memref_slice %arg1[%dma_start3A_109, %dma_start3A_110] : memref<32768x9xf32, #tpu.memory_space<any>> -> memref<1024x9xf32, #tpu.memory_space<any>>
    tpu.enqueue_dma source(%dma_start3A_111 : memref<1024x9xf32, #tpu.memory_space<any>>) target(%dma_start3A_108 : memref<1024x9xf32, #tpu.memory_space<vmem>>) target_semaphore(%dma_start3A_104 : memref<!tpu.dma_semaphore, #tpu.memory_space<semaphore_mem>>)
    %dma_start3A_112 = arith.constant 5 : i32
    %dma_start3A_113 = arith.constant 5 : i32
    %dma_start3A_114 = tpu.memref_slice %arg8[%dma_start3A_113] : memref<6x!tpu.dma_semaphore, #tpu.memory_space<semaphore_mem>> -> memref<1x!tpu.dma_semaphore, #tpu.memory_space<semaphore_mem>>
    %dma_start3A_115 = tpu.memref_squeeze %dma_start3A_114 : memref<1x!tpu.dma_semaphore, #tpu.memory_space<semaphore_mem>> -> memref<!tpu.dma_semaphore, #tpu.memory_space<semaphore_mem>>
    %dma_start3A_116 = arith.constant 0 : i32
    %dma_start3A_117 = arith.constant 0 : i32
    %dma_start3A_118 = tpu.memref_slice %arg4[%dma_start3A_112, %dma_start3A_116, %dma_start3A_117] : memref<6x1024x144xf32, #tpu.memory_space<vmem>> -> memref<1x1024x144xf32, #tpu.memory_space<vmem>>
    %dma_start3A_119 = tpu.memref_squeeze %dma_start3A_118 : memref<1x1024x144xf32, #tpu.memory_space<vmem>> -> memref<1024x144xf32, #tpu.memory_space<vmem>>
    %dma_start3A_120 = arith.constant 5120 : i32
    %dma_start3A_121 = arith.constant 0 : i32
    %dma_start3A_122 = tpu.memref_slice %arg0[%dma_start3A_120, %dma_start3A_121] : memref<32768x144xf32, #tpu.memory_space<any>> -> memref<1024x144xf32, #tpu.memory_space<any>>
    tpu.enqueue_dma source(%dma_start3A_122 : memref<1024x144xf32, #tpu.memory_space<any>>) target(%dma_start3A_119 : memref<1024x144xf32, #tpu.memory_space<vmem>>) target_semaphore(%dma_start3A_115 : memref<!tpu.dma_semaphore, #tpu.memory_space<semaphore_mem>>)
    %dma_start3A_123 = arith.constant 5 : i32
    %dma_start3A_124 = arith.constant 5 : i32
    %dma_start3A_125 = tpu.memref_slice %arg9[%dma_start3A_124] : memref<6x!tpu.dma_semaphore, #tpu.memory_space<semaphore_mem>> -> memref<1x!tpu.dma_semaphore, #tpu.memory_space<semaphore_mem>>
    %dma_start3A_126 = tpu.memref_squeeze %dma_start3A_125 : memref<1x!tpu.dma_semaphore, #tpu.memory_space<semaphore_mem>> -> memref<!tpu.dma_semaphore, #tpu.memory_space<semaphore_mem>>
    %dma_start3A_127 = arith.constant 0 : i32
    %dma_start3A_128 = arith.constant 0 : i32
    %dma_start3A_129 = tpu.memref_slice %arg5[%dma_start3A_123, %dma_start3A_127, %dma_start3A_128] : memref<6x1024x9xf32, #tpu.memory_space<vmem>> -> memref<1x1024x9xf32, #tpu.memory_space<vmem>>
    %dma_start3A_130 = tpu.memref_squeeze %dma_start3A_129 : memref<1x1024x9xf32, #tpu.memory_space<vmem>> -> memref<1024x9xf32, #tpu.memory_space<vmem>>
    %dma_start3A_131 = arith.constant 5120 : i32
    %dma_start3A_132 = arith.constant 0 : i32
    %dma_start3A_133 = tpu.memref_slice %arg1[%dma_start3A_131, %dma_start3A_132] : memref<32768x9xf32, #tpu.memory_space<any>> -> memref<1024x9xf32, #tpu.memory_space<any>>
    tpu.enqueue_dma source(%dma_start3A_133 : memref<1024x9xf32, #tpu.memory_space<any>>) target(%dma_start3A_130 : memref<1024x9xf32, #tpu.memory_space<vmem>>) target_semaphore(%dma_start3A_126 : memref<!tpu.dma_semaphore, #tpu.memory_space<semaphore_mem>>)
    %scan3A = arith.constant 0 : i32
    %scan3A_134 = arith.constant 32 : i32
    %scan3A_135 = arith.addi %scan3A, %scan3A_134 : i32
    %scan3A_136 = arith.constant 1 : i32
    scf.for %scan3A_208 = %scan3A to %scan3A_135 step %scan3A_136  : i32 {
      %rem3A_209 = arith.constant 6 : i32
      %rem3A_210 = arith.remsi %scan3A_208, %rem3A_209 : i32
      %mul3A = arith.constant 1024 : i32
      %mul3A_211 = arith.muli %scan3A_208, %mul3A : i32
      %dma_wait3A_212 = tpu.memref_slice %arg8[%rem3A_210] : memref<6x!tpu.dma_semaphore, #tpu.memory_space<semaphore_mem>> -> memref<1x!tpu.dma_semaphore, #tpu.memory_space<semaphore_mem>>
      %dma_wait3A_213 = tpu.memref_squeeze %dma_wait3A_212 : memref<1x!tpu.dma_semaphore, #tpu.memory_space<semaphore_mem>> -> memref<!tpu.dma_semaphore, #tpu.memory_space<semaphore_mem>>
      %dma_wait3A_214 = arith.constant 0 : i32
      %dma_wait3A_215 = arith.constant 0 : i32
      %dma_wait3A_216 = tpu.memref_slice %arg4[%rem3A_210, %dma_wait3A_214, %dma_wait3A_215] : memref<6x1024x144xf32, #tpu.memory_space<vmem>> -> memref<1x1024x144xf32, #tpu.memory_space<vmem>>
      %dma_wait3A_217 = tpu.memref_squeeze %dma_wait3A_216 : memref<1x1024x144xf32, #tpu.memory_space<vmem>> -> memref<1024x144xf32, #tpu.memory_space<vmem>>
      %dma_wait3A_218 = arith.constant 0 : i32
      %dma_wait3A_219 = tpu.memref_slice %arg0[%mul3A_211, %dma_wait3A_218] : memref<32768x144xf32, #tpu.memory_space<any>> -> memref<1024x144xf32, #tpu.memory_space<any>>
      tpu.wait_dma2 semaphore(%dma_wait3A_213 : memref<!tpu.dma_semaphore, #tpu.memory_space<semaphore_mem>>) src(%dma_wait3A_219 : memref<1024x144xf32, #tpu.memory_space<any>>) dst(%dma_wait3A_217 : memref<1024x144xf32, #tpu.memory_space<vmem>>)
      %mul3A_220 = arith.constant 1024 : i32
      %mul3A_221 = arith.muli %scan3A_208, %mul3A_220 : i32
      %dma_wait3A_222 = tpu.memref_slice %arg9[%rem3A_210] : memref<6x!tpu.dma_semaphore, #tpu.memory_space<semaphore_mem>> -> memref<1x!tpu.dma_semaphore, #tpu.memory_space<semaphore_mem>>
      %dma_wait3A_223 = tpu.memref_squeeze %dma_wait3A_222 : memref<1x!tpu.dma_semaphore, #tpu.memory_space<semaphore_mem>> -> memref<!tpu.dma_semaphore, #tpu.memory_space<semaphore_mem>>
      %dma_wait3A_224 = arith.constant 0 : i32
      %dma_wait3A_225 = arith.constant 0 : i32
      %dma_wait3A_226 = tpu.memref_slice %arg5[%rem3A_210, %dma_wait3A_224, %dma_wait3A_225] : memref<6x1024x9xf32, #tpu.memory_space<vmem>> -> memref<1x1024x9xf32, #tpu.memory_space<vmem>>
      %dma_wait3A_227 = tpu.memref_squeeze %dma_wait3A_226 : memref<1x1024x9xf32, #tpu.memory_space<vmem>> -> memref<1024x9xf32, #tpu.memory_space<vmem>>
      %dma_wait3A_228 = arith.constant 0 : i32
      %dma_wait3A_229 = tpu.memref_slice %arg1[%mul3A_221, %dma_wait3A_228] : memref<32768x9xf32, #tpu.memory_space<any>> -> memref<1024x9xf32, #tpu.memory_space<any>>
      tpu.wait_dma2 semaphore(%dma_wait3A_223 : memref<!tpu.dma_semaphore, #tpu.memory_space<semaphore_mem>>) src(%dma_wait3A_229 : memref<1024x9xf32, #tpu.memory_space<any>>) dst(%dma_wait3A_227 : memref<1024x9xf32, #tpu.memory_space<vmem>>)
      %ge3A = arith.constant 6 : i32
      %ge3A_230 = arith.cmpi sge, %scan3A_208, %ge3A : i32
      %convert_element_type3A = arith.extui %ge3A_230 : i1 to i32
      %cond3A = arith.constant 0 : i32
      %cond3A_231 = arith.cmpi ne, %convert_element_type3A, %cond3A : i32
      scf.if %cond3A_231 {
        %sub3A = arith.constant 6 : i32
        %sub3A_324 = arith.subi %scan3A_208, %sub3A : i32
        %mul3A_325 = arith.constant 1024 : i32
        %mul3A_326 = arith.muli %sub3A_324, %mul3A_325 : i32
        %dma_wait3A_327 = tpu.memref_slice %arg10[%rem3A_210] : memref<6x!tpu.dma_semaphore, #tpu.memory_space<semaphore_mem>> -> memref<1x!tpu.dma_semaphore, #tpu.memory_space<semaphore_mem>>
        %dma_wait3A_328 = tpu.memref_squeeze %dma_wait3A_327 : memref<1x!tpu.dma_semaphore, #tpu.memory_space<semaphore_mem>> -> memref<!tpu.dma_semaphore, #tpu.memory_space<semaphore_mem>>
        %dma_wait3A_329 = arith.constant 0 : i32
        %dma_wait3A_330 = tpu.memref_slice %arg3[%mul3A_326, %dma_wait3A_329] : memref<32768x144xf32, #tpu.memory_space<any>> -> memref<1024x144xf32, #tpu.memory_space<any>>
        %dma_wait3A_331 = arith.constant 0 : i32
        %dma_wait3A_332 = arith.constant 0 : i32
        %dma_wait3A_333 = tpu.memref_slice %arg6[%rem3A_210, %dma_wait3A_331, %dma_wait3A_332] : memref<6x1024x144xf32, #tpu.memory_space<vmem>> -> memref<1x1024x144xf32, #tpu.memory_space<vmem>>
        %dma_wait3A_334 = tpu.memref_squeeze %dma_wait3A_333 : memref<1x1024x144xf32, #tpu.memory_space<vmem>> -> memref<1024x144xf32, #tpu.memory_space<vmem>>
        tpu.wait_dma2 semaphore(%dma_wait3A_328 : memref<!tpu.dma_semaphore, #tpu.memory_space<semaphore_mem>>) src(%dma_wait3A_334 : memref<1024x144xf32, #tpu.memory_space<vmem>>) dst(%dma_wait3A_330 : memref<1024x144xf32, #tpu.memory_space<any>>)
      } else {
      }
      %get3A = arith.index_cast %rem3A_210 : i32 to index
      %get3A_232 = arith.constant 0 : index
      %get3A_233 = arith.constant 0 : index
      %get3A_234 = vector.load %arg4[%get3A, %get3A_232, %get3A_233] : memref<6x1024x144xf32, #tpu.memory_space<vmem>>, vector<1x1024x144xf32>
      %get3A_235 = vector.shape_cast %get3A_234 : vector<1x1024x144xf32> to vector<1024x144xf32>
      %convert_element_type3A_236 = arith.truncf %get3A_235 : vector<1024x144xf32> to vector<1024x144xbf16>
      %get3A_237 = arith.index_cast %rem3A_210 : i32 to index
      %get3A_238 = arith.constant 0 : index
      %get3A_239 = arith.constant 0 : index
      %get3A_240 = vector.load %arg5[%get3A_237, %get3A_238, %get3A_239] : memref<6x1024x9xf32, #tpu.memory_space<vmem>>, vector<1x1024x9xf32>
      %get3A_241 = vector.shape_cast %get3A_240 : vector<1x1024x9xf32> to vector<1024x9xf32>
      %convert_element_type3A_242 = arith.truncf %get3A_241 : vector<1024x9xf32> to vector<1024x9xbf16>
      %slice3A = vector.extract_strided_slice %convert_element_type3A_242 {offsets = [0, 0], sizes = [1024, 1], strides = [1, 1]} : vector<1024x9xbf16> to vector<1024x1xbf16>
      %mul3A_243 = vector.broadcast %slice3A : vector<1024x1xbf16> to vector<1024x144xbf16>
      %mul3A_244 = arith.mulf %convert_element_type3A_236, %mul3A_243 : vector<1024x144xbf16>
      %swap3A_245 = arith.constant 0 : index
      %swap3A_246 = arith.constant 0 : index
      %swap3A_247 = vector.load %arg7[%swap3A_245, %swap3A_246] : memref<1024x2304xbf16, #tpu.memory_space<vmem>>, vector<1024x144xbf16>
      tpu.vector_store %arg7[%swap3A_245, %swap3A_246], %mul3A_244 {strides = array<i32>} : memref<1024x2304xbf16, #tpu.memory_space<vmem>>, vector<1024x144xbf16>,
      %slice3A_248 = vector.extract_strided_slice %convert_element_type3A_242 {offsets = [0, 1], sizes = [1024, 1], strides = [1, 1]} : vector<1024x9xbf16> to vector<1024x1xbf16>
      %mul3A_249 = vector.broadcast %slice3A_248 : vector<1024x1xbf16> to vector<1024x144xbf16>
      %mul3A_250 = arith.mulf %convert_element_type3A_236, %mul3A_249 : vector<1024x144xbf16>
      %swap3A_251 = arith.constant 0 : index
      %swap3A_252 = arith.constant 256 : index
      %swap3A_253 = vector.load %arg7[%swap3A_251, %swap3A_252] : memref<1024x2304xbf16, #tpu.memory_space<vmem>>, vector<1024x144xbf16>
      tpu.vector_store %arg7[%swap3A_251, %swap3A_252], %mul3A_250 {strides = array<i32>} : memref<1024x2304xbf16, #tpu.memory_space<vmem>>, vector<1024x144xbf16>,
      %slice3A_254 = vector.extract_strided_slice %convert_element_type3A_242 {offsets = [0, 2], sizes = [1024, 1], strides = [1, 1]} : vector<1024x9xbf16> to vector<1024x1xbf16>
      %mul3A_255 = vector.broadcast %slice3A_254 : vector<1024x1xbf16> to vector<1024x144xbf16>
      %mul3A_256 = arith.mulf %convert_element_type3A_236, %mul3A_255 : vector<1024x144xbf16>
      %swap3A_257 = arith.constant 0 : index
      %swap3A_258 = arith.constant 512 : index
      %swap3A_259 = vector.load %arg7[%swap3A_257, %swap3A_258] : memref<1024x2304xbf16, #tpu.memory_space<vmem>>, vector<1024x144xbf16>
      tpu.vector_store %arg7[%swap3A_257, %swap3A_258], %mul3A_256 {strides = array<i32>} : memref<1024x2304xbf16, #tpu.memory_space<vmem>>, vector<1024x144xbf16>,
      %slice3A_260 = vector.extract_strided_slice %convert_element_type3A_242 {offsets = [0, 3], sizes = [1024, 1], strides = [1, 1]} : vector<1024x9xbf16> to vector<1024x1xbf16>
      %mul3A_261 = vector.broadcast %slice3A_260 : vector<1024x1xbf16> to vector<1024x144xbf16>
      %mul3A_262 = arith.mulf %convert_element_type3A_236, %mul3A_261 : vector<1024x144xbf16>
      %swap3A_263 = arith.constant 0 : index
      %swap3A_264 = arith.constant 768 : index
      %swap3A_265 = vector.load %arg7[%swap3A_263, %swap3A_264] : memref<1024x2304xbf16, #tpu.memory_space<vmem>>, vector<1024x144xbf16>
      tpu.vector_store %arg7[%swap3A_263, %swap3A_264], %mul3A_262 {strides = array<i32>} : memref<1024x2304xbf16, #tpu.memory_space<vmem>>, vector<1024x144xbf16>,
      %slice3A_266 = vector.extract_strided_slice %convert_element_type3A_242 {offsets = [0, 4], sizes = [1024, 1], strides = [1, 1]} : vector<1024x9xbf16> to vector<1024x1xbf16>
      %mul3A_267 = vector.broadcast %slice3A_266 : vector<1024x1xbf16> to vector<1024x144xbf16>
      %mul3A_268 = arith.mulf %convert_element_type3A_236, %mul3A_267 : vector<1024x144xbf16>
      %swap3A_269 = arith.constant 0 : index
      %swap3A_270 = arith.constant 1024 : index
      %swap3A_271 = vector.load %arg7[%swap3A_269, %swap3A_270] : memref<1024x2304xbf16, #tpu.memory_space<vmem>>, vector<1024x144xbf16>
      tpu.vector_store %arg7[%swap3A_269, %swap3A_270], %mul3A_268 {strides = array<i32>} : memref<1024x2304xbf16, #tpu.memory_space<vmem>>, vector<1024x144xbf16>,
      %slice3A_272 = vector.extract_strided_slice %convert_element_type3A_242 {offsets = [0, 5], sizes = [1024, 1], strides = [1, 1]} : vector<1024x9xbf16> to vector<1024x1xbf16>
      %mul3A_273 = vector.broadcast %slice3A_272 : vector<1024x1xbf16> to vector<1024x144xbf16>
      %mul3A_274 = arith.mulf %convert_element_type3A_236, %mul3A_273 : vector<1024x144xbf16>
      %swap3A_275 = arith.constant 0 : index
      %swap3A_276 = arith.constant 1280 : index
      %swap3A_277 = vector.load %arg7[%swap3A_275, %swap3A_276] : memref<1024x2304xbf16, #tpu.memory_space<vmem>>, vector<1024x144xbf16>
      tpu.vector_store %arg7[%swap3A_275, %swap3A_276], %mul3A_274 {strides = array<i32>} : memref<1024x2304xbf16, #tpu.memory_space<vmem>>, vector<1024x144xbf16>,
      %slice3A_278 = vector.extract_strided_slice %convert_element_type3A_242 {offsets = [0, 6], sizes = [1024, 1], strides = [1, 1]} : vector<1024x9xbf16> to vector<1024x1xbf16>
      %mul3A_279 = vector.broadcast %slice3A_278 : vector<1024x1xbf16> to vector<1024x144xbf16>
      %mul3A_280 = arith.mulf %convert_element_type3A_236, %mul3A_279 : vector<1024x144xbf16>
      %swap3A_281 = arith.constant 0 : index
      %swap3A_282 = arith.constant 1536 : index
      %swap3A_283 = vector.load %arg7[%swap3A_281, %swap3A_282] : memref<1024x2304xbf16, #tpu.memory_space<vmem>>, vector<1024x144xbf16>
      tpu.vector_store %arg7[%swap3A_281, %swap3A_282], %mul3A_280 {strides = array<i32>} : memref<1024x2304xbf16, #tpu.memory_space<vmem>>, vector<1024x144xbf16>,
      %slice3A_284 = vector.extract_strided_slice %convert_element_type3A_242 {offsets = [0, 7], sizes = [1024, 1], strides = [1, 1]} : vector<1024x9xbf16> to vector<1024x1xbf16>
      %mul3A_285 = vector.broadcast %slice3A_284 : vector<1024x1xbf16> to vector<1024x144xbf16>
      %mul3A_286 = arith.mulf %convert_element_type3A_236, %mul3A_285 : vector<1024x144xbf16>
      %swap3A_287 = arith.constant 0 : index
      %swap3A_288 = arith.constant 1792 : index
      %swap3A_289 = vector.load %arg7[%swap3A_287, %swap3A_288] : memref<1024x2304xbf16, #tpu.memory_space<vmem>>, vector<1024x144xbf16>
      tpu.vector_store %arg7[%swap3A_287, %swap3A_288], %mul3A_286 {strides = array<i32>} : memref<1024x2304xbf16, #tpu.memory_space<vmem>>, vector<1024x144xbf16>,
      %slice3A_290 = vector.extract_strided_slice %convert_element_type3A_242 {offsets = [0, 8], sizes = [1024, 1], strides = [1, 1]} : vector<1024x9xbf16> to vector<1024x1xbf16>
      %mul3A_291 = vector.broadcast %slice3A_290 : vector<1024x1xbf16> to vector<1024x144xbf16>
      %mul3A_292 = arith.mulf %convert_element_type3A_236, %mul3A_291 : vector<1024x144xbf16>
      %swap3A_293 = arith.constant 0 : index
      %swap3A_294 = arith.constant 2048 : index
      %swap3A_295 = vector.load %arg7[%swap3A_293, %swap3A_294] : memref<1024x2304xbf16, #tpu.memory_space<vmem>>, vector<1024x144xbf16>
      tpu.vector_store %arg7[%swap3A_293, %swap3A_294], %mul3A_292 {strides = array<i32>} : memref<1024x2304xbf16, #tpu.memory_space<vmem>>, vector<1024x144xbf16>,
      %get3A_296 = arith.constant 0 : index
      %get3A_297 = arith.constant 0 : index
      %get3A_298 = vector.load %arg7[%get3A_296, %get3A_297] : memref<1024x2304xbf16, #tpu.memory_space<vmem>>, vector<1024x2304xbf16>
      %get3A_299 = arith.constant 0 : index
      %get3A_300 = arith.constant 0 : index
      %get3A_301 = vector.load %arg2[%get3A_299, %get3A_300] : memref<2304x144xbf16, #tpu.memory_space<vmem>>, vector<2304x144xbf16>
      %dot_general3A = arith.constant dense<0.000000e+00> : vector<1024x144xf32>
      %dot_general3A_302 = tpu.matmul %get3A_298, %get3A_301, %dot_general3A {dimension_numbers = #tpu.dot_dimension_numbers<[1], [0], [0], [1], [0, 0, 1, 1], [], []>, transpose_lhs_hint = false} : vector<1024x2304xbf16>, vector<2304x144xbf16>, vector<1024x144xf32> -> vector<1024x144xf32>
      %swap3A_303 = arith.index_cast %rem3A_210 : i32 to index
      %swap3A_304 = arith.constant 0 : index
      %swap3A_305 = arith.constant 0 : index
      %swap3A_306 = vector.load %arg6[%swap3A_303, %swap3A_304, %swap3A_305] : memref<6x1024x144xf32, #tpu.memory_space<vmem>>, vector<1x1024x144xf32>
      %swap3A_307 = vector.shape_cast %swap3A_306 : vector<1x1024x144xf32> to vector<1024x144xf32>
      %swap3A_308 = vector.shape_cast %dot_general3A_302 : vector<1024x144xf32> to vector<1x1024x144xf32>
      tpu.vector_store %arg6[%swap3A_303, %swap3A_304, %swap3A_305], %swap3A_308 {strides = array<i32>} : memref<6x1024x144xf32, #tpu.memory_space<vmem>>, vector<1x1024x144xf32>,
      %mul3A_309 = arith.constant 1024 : i32
      %mul3A_310 = arith.muli %scan3A_208, %mul3A_309 : i32
      %dma_start3A_311 = tpu.memref_slice %arg10[%rem3A_210] : memref<6x!tpu.dma_semaphore, #tpu.memory_space<semaphore_mem>> -> memref<1x!tpu.dma_semaphore, #tpu.memory_space<semaphore_mem>>
      %dma_start3A_312 = tpu.memref_squeeze %dma_start3A_311 : memref<1x!tpu.dma_semaphore, #tpu.memory_space<semaphore_mem>> -> memref<!tpu.dma_semaphore, #tpu.memory_space<semaphore_mem>>
      %dma_start3A_313 = arith.constant 0 : i32
      %dma_start3A_314 = tpu.memref_slice %arg3[%mul3A_310, %dma_start3A_313] : memref<32768x144xf32, #tpu.memory_space<any>> -> memref<1024x144xf32, #tpu.memory_space<any>>
      %dma_start3A_315 = arith.constant 0 : i32
      %dma_start3A_316 = arith.constant 0 : i32
      %dma_start3A_317 = tpu.memref_slice %arg6[%rem3A_210, %dma_start3A_315, %dma_start3A_316] : memref<6x1024x144xf32, #tpu.memory_space<vmem>> -> memref<1x1024x144xf32, #tpu.memory_space<vmem>>
      %dma_start3A_318 = tpu.memref_squeeze %dma_start3A_317 : memref<1x1024x144xf32, #tpu.memory_space<vmem>> -> memref<1024x144xf32, #tpu.memory_space<vmem>>
      tpu.enqueue_dma source(%dma_start3A_318 : memref<1024x144xf32, #tpu.memory_space<vmem>>) target(%dma_start3A_314 : memref<1024x144xf32, #tpu.memory_space<any>>) target_semaphore(%dma_start3A_312 : memref<!tpu.dma_semaphore, #tpu.memory_space<semaphore_mem>>)
      %add3A = arith.constant 6 : i32
      %add3A_319 = arith.addi %scan3A_208, %add3A : i32
      %lt3A = arith.constant 32 : i32
      %lt3A_320 = arith.cmpi slt, %add3A_319, %lt3A : i32
      %convert_element_type3A_321 = arith.extui %lt3A_320 : i1 to i32
      %cond3A_322 = arith.constant 0 : i32
      %cond3A_323 = arith.cmpi ne, %convert_element_type3A_321, %cond3A_322 : i32
      scf.if %cond3A_323 {
        %add3A_324 = arith.constant 6 : i32
        %add3A_325 = arith.addi %scan3A_208, %add3A_324 : i32
        %mul3A_326 = arith.constant 1024 : i32
        %mul3A_327 = arith.muli %add3A_325, %mul3A_326 : i32
        %dma_start3A_328 = tpu.memref_slice %arg8[%rem3A_210] : memref<6x!tpu.dma_semaphore, #tpu.memory_space<semaphore_mem>> -> memref<1x!tpu.dma_semaphore, #tpu.memory_space<semaphore_mem>>
        %dma_start3A_329 = tpu.memref_squeeze %dma_start3A_328 : memref<1x!tpu.dma_semaphore, #tpu.memory_space<semaphore_mem>> -> memref<!tpu.dma_semaphore, #tpu.memory_space<semaphore_mem>>
        %dma_start3A_330 = arith.constant 0 : i32
        %dma_start3A_331 = arith.constant 0 : i32
        %dma_start3A_332 = tpu.memref_slice %arg4[%rem3A_210, %dma_start3A_330, %dma_start3A_331] : memref<6x1024x144xf32, #tpu.memory_space<vmem>> -> memref<1x1024x144xf32, #tpu.memory_space<vmem>>
        %dma_start3A_333 = tpu.memref_squeeze %dma_start3A_332 : memref<1x1024x144xf32, #tpu.memory_space<vmem>> -> memref<1024x144xf32, #tpu.memory_space<vmem>>
        %dma_start3A_334 = arith.constant 0 : i32
        %dma_start3A_335 = tpu.memref_slice %arg0[%mul3A_327, %dma_start3A_334] : memref<32768x144xf32, #tpu.memory_space<any>> -> memref<1024x144xf32, #tpu.memory_space<any>>
        tpu.enqueue_dma source(%dma_start3A_335 : memref<1024x144xf32, #tpu.memory_space<any>>) target(%dma_start3A_333 : memref<1024x144xf32, #tpu.memory_space<vmem>>) target_semaphore(%dma_start3A_329 : memref<!tpu.dma_semaphore, #tpu.memory_space<semaphore_mem>>)
        %add3A_336 = arith.constant 6 : i32
        %add3A_337 = arith.addi %scan3A_208, %add3A_336 : i32
        %mul3A_338 = arith.constant 1024 : i32
        %mul3A_339 = arith.muli %add3A_337, %mul3A_338 : i32
        %dma_start3A_340 = tpu.memref_slice %arg9[%rem3A_210] : memref<6x!tpu.dma_semaphore, #tpu.memory_space<semaphore_mem>> -> memref<1x!tpu.dma_semaphore, #tpu.memory_space<semaphore_mem>>
        %dma_start3A_341 = tpu.memref_squeeze %dma_start3A_340 : memref<1x!tpu.dma_semaphore, #tpu.memory_space<semaphore_mem>> -> memref<!tpu.dma_semaphore, #tpu.memory_space<semaphore_mem>>
        %dma_start3A_342 = arith.constant 0 : i32
        %dma_start3A_343 = arith.constant 0 : i32
        %dma_start3A_344 = tpu.memref_slice %arg5[%rem3A_210, %dma_start3A_342, %dma_start3A_343] : memref<6x1024x9xf32, #tpu.memory_space<vmem>> -> memref<1x1024x9xf32, #tpu.memory_space<vmem>>
        %dma_start3A_345 = tpu.memref_squeeze %dma_start3A_344 : memref<1x1024x9xf32, #tpu.memory_space<vmem>> -> memref<1024x9xf32, #tpu.memory_space<vmem>>
        %dma_start3A_346 = arith.constant 0 : i32
        %dma_start3A_347 = tpu.memref_slice %arg1[%mul3A_339, %dma_start3A_346] : memref<32768x9xf32, #tpu.memory_space<any>> -> memref<1024x9xf32, #tpu.memory_space<any>>
        tpu.enqueue_dma source(%dma_start3A_347 : memref<1024x9xf32, #tpu.memory_space<any>>) target(%dma_start3A_345 : memref<1024x9xf32, #tpu.memory_space<vmem>>) target_semaphore(%dma_start3A_341 : memref<!tpu.dma_semaphore, #tpu.memory_space<semaphore_mem>>)
      } else {
      }
    }
    %scan3A_137 = arith.constant 32 : i32
    %rem3A = arith.constant 26 : i32
    %rem3A_138 = arith.constant 6 : i32
    %rem3A_139 = arith.remsi %rem3A, %rem3A_138 : i32
    %dma_wait3A = tpu.memref_slice %arg10[%rem3A_139] : memref<6x!tpu.dma_semaphore, #tpu.memory_space<semaphore_mem>> -> memref<1x!tpu.dma_semaphore, #tpu.memory_space<semaphore_mem>>
    %dma_wait3A_140 = tpu.memref_squeeze %dma_wait3A : memref<1x!tpu.dma_semaphore, #tpu.memory_space<semaphore_mem>> -> memref<!tpu.dma_semaphore, #tpu.memory_space<semaphore_mem>>
    %dma_wait3A_141 = arith.constant 26624 : i32
    %dma_wait3A_142 = arith.constant 0 : i32
    %dma_wait3A_143 = tpu.memref_slice %arg3[%dma_wait3A_141, %dma_wait3A_142] : memref<32768x144xf32, #tpu.memory_space<any>> -> memref<1024x144xf32, #tpu.memory_space<any>>
    %dma_wait3A_144 = arith.constant 0 : i32
    %dma_wait3A_145 = arith.constant 0 : i32
    %dma_wait3A_146 = tpu.memref_slice %arg6[%rem3A_139, %dma_wait3A_144, %dma_wait3A_145] : memref<6x1024x144xf32, #tpu.memory_space<vmem>> -> memref<1x1024x144xf32, #tpu.memory_space<vmem>>
    %dma_wait3A_147 = tpu.memref_squeeze %dma_wait3A_146 : memref<1x1024x144xf32, #tpu.memory_space<vmem>> -> memref<1024x144xf32, #tpu.memory_space<vmem>>
    tpu.wait_dma2 semaphore(%dma_wait3A_140 : memref<!tpu.dma_semaphore, #tpu.memory_space<semaphore_mem>>) src(%dma_wait3A_147 : memref<1024x144xf32, #tpu.memory_space<vmem>>) dst(%dma_wait3A_143 : memref<1024x144xf32, #tpu.memory_space<any>>)
    %rem3A_148 = arith.constant 27 : i32
    %rem3A_149 = arith.constant 6 : i32
    %rem3A_150 = arith.remsi %rem3A_148, %rem3A_149 : i32
    %dma_wait3A_151 = tpu.memref_slice %arg10[%rem3A_150] : memref<6x!tpu.dma_semaphore, #tpu.memory_space<semaphore_mem>> -> memref<1x!tpu.dma_semaphore, #tpu.memory_space<semaphore_mem>>
    %dma_wait3A_152 = tpu.memref_squeeze %dma_wait3A_151 : memref<1x!tpu.dma_semaphore, #tpu.memory_space<semaphore_mem>> -> memref<!tpu.dma_semaphore, #tpu.memory_space<semaphore_mem>>
    %dma_wait3A_153 = arith.constant 27648 : i32
    %dma_wait3A_154 = arith.constant 0 : i32
    %dma_wait3A_155 = tpu.memref_slice %arg3[%dma_wait3A_153, %dma_wait3A_154] : memref<32768x144xf32, #tpu.memory_space<any>> -> memref<1024x144xf32, #tpu.memory_space<any>>
    %dma_wait3A_156 = arith.constant 0 : i32
    %dma_wait3A_157 = arith.constant 0 : i32
    %dma_wait3A_158 = tpu.memref_slice %arg6[%rem3A_150, %dma_wait3A_156, %dma_wait3A_157] : memref<6x1024x144xf32, #tpu.memory_space<vmem>> -> memref<1x1024x144xf32, #tpu.memory_space<vmem>>
    %dma_wait3A_159 = tpu.memref_squeeze %dma_wait3A_158 : memref<1x1024x144xf32, #tpu.memory_space<vmem>> -> memref<1024x144xf32, #tpu.memory_space<vmem>>
    tpu.wait_dma2 semaphore(%dma_wait3A_152 : memref<!tpu.dma_semaphore, #tpu.memory_space<semaphore_mem>>) src(%dma_wait3A_159 : memref<1024x144xf32, #tpu.memory_space<vmem>>) dst(%dma_wait3A_155 : memref<1024x144xf32, #tpu.memory_space<any>>)
    %rem3A_160 = arith.constant 28 : i32
    %rem3A_161 = arith.constant 6 : i32
    %rem3A_162 = arith.remsi %rem3A_160, %rem3A_161 : i32
    %dma_wait3A_163 = tpu.memref_slice %arg10[%rem3A_162] : memref<6x!tpu.dma_semaphore, #tpu.memory_space<semaphore_mem>> -> memref<1x!tpu.dma_semaphore, #tpu.memory_space<semaphore_mem>>
    %dma_wait3A_164 = tpu.memref_squeeze %dma_wait3A_163 : memref<1x!tpu.dma_semaphore, #tpu.memory_space<semaphore_mem>> -> memref<!tpu.dma_semaphore, #tpu.memory_space<semaphore_mem>>
    %dma_wait3A_165 = arith.constant 28672 : i32
    %dma_wait3A_166 = arith.constant 0 : i32
    %dma_wait3A_167 = tpu.memref_slice %arg3[%dma_wait3A_165, %dma_wait3A_166] : memref<32768x144xf32, #tpu.memory_space<any>> -> memref<1024x144xf32, #tpu.memory_space<any>>
    %dma_wait3A_168 = arith.constant 0 : i32
    %dma_wait3A_169 = arith.constant 0 : i32
    %dma_wait3A_170 = tpu.memref_slice %arg6[%rem3A_162, %dma_wait3A_168, %dma_wait3A_169] : memref<6x1024x144xf32, #tpu.memory_space<vmem>> -> memref<1x1024x144xf32, #tpu.memory_space<vmem>>
    %dma_wait3A_171 = tpu.memref_squeeze %dma_wait3A_170 : memref<1x1024x144xf32, #tpu.memory_space<vmem>> -> memref<1024x144xf32, #tpu.memory_space<vmem>>
    tpu.wait_dma2 semaphore(%dma_wait3A_164 : memref<!tpu.dma_semaphore, #tpu.memory_space<semaphore_mem>>) src(%dma_wait3A_171 : memref<1024x144xf32, #tpu.memory_space<vmem>>) dst(%dma_wait3A_167 : memref<1024x144xf32, #tpu.memory_space<any>>)
    %rem3A_172 = arith.constant 29 : i32
    %rem3A_173 = arith.constant 6 : i32
    %rem3A_174 = arith.remsi %rem3A_172, %rem3A_173 : i32
    %dma_wait3A_175 = tpu.memref_slice %arg10[%rem3A_174] : memref<6x!tpu.dma_semaphore, #tpu.memory_space<semaphore_mem>> -> memref<1x!tpu.dma_semaphore, #tpu.memory_space<semaphore_mem>>
    %dma_wait3A_176 = tpu.memref_squeeze %dma_wait3A_175 : memref<1x!tpu.dma_semaphore, #tpu.memory_space<semaphore_mem>> -> memref<!tpu.dma_semaphore, #tpu.memory_space<semaphore_mem>>
    %dma_wait3A_177 = arith.constant 29696 : i32
    %dma_wait3A_178 = arith.constant 0 : i32
    %dma_wait3A_179 = tpu.memref_slice %arg3[%dma_wait3A_177, %dma_wait3A_178] : memref<32768x144xf32, #tpu.memory_space<any>> -> memref<1024x144xf32, #tpu.memory_space<any>>
    %dma_wait3A_180 = arith.constant 0 : i32
    %dma_wait3A_181 = arith.constant 0 : i32
    %dma_wait3A_182 = tpu.memref_slice %arg6[%rem3A_174, %dma_wait3A_180, %dma_wait3A_181] : memref<6x1024x144xf32, #tpu.memory_space<vmem>> -> memref<1x1024x144xf32, #tpu.memory_space<vmem>>
    %dma_wait3A_183 = tpu.memref_squeeze %dma_wait3A_182 : memref<1x1024x144xf32, #tpu.memory_space<vmem>> -> memref<1024x144xf32, #tpu.memory_space<vmem>>
    tpu.wait_dma2 semaphore(%dma_wait3A_176 : memref<!tpu.dma_semaphore, #tpu.memory_space<semaphore_mem>>) src(%dma_wait3A_183 : memref<1024x144xf32, #tpu.memory_space<vmem>>) dst(%dma_wait3A_179 : memref<1024x144xf32, #tpu.memory_space<any>>)
    %rem3A_184 = arith.constant 30 : i32
    %rem3A_185 = arith.constant 6 : i32
    %rem3A_186 = arith.remsi %rem3A_184, %rem3A_185 : i32
    %dma_wait3A_187 = tpu.memref_slice %arg10[%rem3A_186] : memref<6x!tpu.dma_semaphore, #tpu.memory_space<semaphore_mem>> -> memref<1x!tpu.dma_semaphore, #tpu.memory_space<semaphore_mem>>
    %dma_wait3A_188 = tpu.memref_squeeze %dma_wait3A_187 : memref<1x!tpu.dma_semaphore, #tpu.memory_space<semaphore_mem>> -> memref<!tpu.dma_semaphore, #tpu.memory_space<semaphore_mem>>
    %dma_wait3A_189 = arith.constant 30720 : i32
    %dma_wait3A_190 = arith.constant 0 : i32
    %dma_wait3A_191 = tpu.memref_slice %arg3[%dma_wait3A_189, %dma_wait3A_190] : memref<32768x144xf32, #tpu.memory_space<any>> -> memref<1024x144xf32, #tpu.memory_space<any>>
    %dma_wait3A_192 = arith.constant 0 : i32
    %dma_wait3A_193 = arith.constant 0 : i32
    %dma_wait3A_194 = tpu.memref_slice %arg6[%rem3A_186, %dma_wait3A_192, %dma_wait3A_193] : memref<6x1024x144xf32, #tpu.memory_space<vmem>> -> memref<1x1024x144xf32, #tpu.memory_space<vmem>>
    %dma_wait3A_195 = tpu.memref_squeeze %dma_wait3A_194 : memref<1x1024x144xf32, #tpu.memory_space<vmem>> -> memref<1024x144xf32, #tpu.memory_space<vmem>>
    tpu.wait_dma2 semaphore(%dma_wait3A_188 : memref<!tpu.dma_semaphore, #tpu.memory_space<semaphore_mem>>) src(%dma_wait3A_195 : memref<1024x144xf32, #tpu.memory_space<vmem>>) dst(%dma_wait3A_191 : memref<1024x144xf32, #tpu.memory_space<any>>)
    %rem3A_196 = arith.constant 31 : i32
    %rem3A_197 = arith.constant 6 : i32
    %rem3A_198 = arith.remsi %rem3A_196, %rem3A_197 : i32
    %dma_wait3A_199 = tpu.memref_slice %arg10[%rem3A_198] : memref<6x!tpu.dma_semaphore, #tpu.memory_space<semaphore_mem>> -> memref<1x!tpu.dma_semaphore, #tpu.memory_space<semaphore_mem>>
    %dma_wait3A_200 = tpu.memref_squeeze %dma_wait3A_199 : memref<1x!tpu.dma_semaphore, #tpu.memory_space<semaphore_mem>> -> memref<!tpu.dma_semaphore, #tpu.memory_space<semaphore_mem>>
    %dma_wait3A_201 = arith.constant 31744 : i32
    %dma_wait3A_202 = arith.constant 0 : i32
    %dma_wait3A_203 = tpu.memref_slice %arg3[%dma_wait3A_201, %dma_wait3A_202] : memref<32768x144xf32, #tpu.memory_space<any>> -> memref<1024x144xf32, #tpu.memory_space<any>>
    %dma_wait3A_204 = arith.constant 0 : i32
    %dma_wait3A_205 = arith.constant 0 : i32
    %dma_wait3A_206 = tpu.memref_slice %arg6[%rem3A_198, %dma_wait3A_204, %dma_wait3A_205] : memref<6x1024x144xf32, #tpu.memory_space<vmem>> -> memref<1x1024x144xf32, #tpu.memory_space<vmem>>
    %dma_wait3A_207 = tpu.memref_squeeze %dma_wait3A_206 : memref<1x1024x144xf32, #tpu.memory_space<vmem>> -> memref<1024x144xf32, #tpu.memory_space<vmem>>
    tpu.wait_dma2 semaphore(%dma_wait3A_200 : memref<!tpu.dma_semaphore, #tpu.memory_space<semaphore_mem>>) src(%dma_wait3A_207 : memref<1024x144xf32, #tpu.memory_space<vmem>>) dst(%dma_wait3A_203 : memref<1024x144xf32, #tpu.memory_space<any>>)
    return
  }
}

</mosaic_0001>

<sc_bundles>
// kernel: kernel.4.cloned.1.call-start
scs
__scs_entry_jumppad:
0x0: {  	(pc) =	sbr.rel $0x88, $3  }
0x1: {  	(tag) =	ssettag $0x0;
	lr =	simm.s32 $0x1  }
0x2: {  	[smem:$0x3F98] =	sst lr;
	_ =	strace $0xD0000000  }
0x3: {  	_ = 	snop  }
0x4: {  	_ = 	snop  }
0x5: {  	_ = 	snop  }
0x6: {  	_ = 	snop  }
0x7: {  	_ = 	snop  }
__scs_overlays_trampoline_lowered:
0x8: {  	[smem:$0x3FA7] =	sst s0  }
0x9: {  	[smem:$0x3FA8] =	sst s1  }
0xa: {  	[smem:$0x3FA9] =	sst s2  }
0xb: {  	[smem:$0x3FAA] =	sst s3  }
0xc: {  	[smem:$0x3FAB] =	sst s4  }
0xd: {  	[smem:$0x3FAC] =	sst s5  }
0xe: {  	[smem:$0x3FAD] =	sst s6  }
0xf: {  	[smem:$0x3FAE] =	sst s7  }
0x10: {  	[smem:$0x3FAF] =	sst s8  }
0x11: {  	[smem:$0x3FB0] =	sst s9;
	s0 =	simm.s32 @!p0 $0x0  }
0x12: {  	s1 =	sld [smem:$0x3F96];
	s0 =	simm.s32 @p0 $0x1  }
0x13: {  	[smem:$0x3FB1] =	sst s0;
	s0 =	simm.s32 @!p1 $0x0  }
0x14: {  	s2 =	sld [smem:$0x3F95];
	s0 =	simm.s32 @p1 $0x1  }
0x15: {  	[smem:$0x3FB2] =	sst s0;
	s0 =	simm.s32 @!p2 $0x0  }
0x16: {  	s3 =	sld [smem:$0x3FDB];
	s0 =	simm.s32 @p2 $0x1  }
0x17: {  	s4 =	simm.s32 $0x1BF5;
	[smem:$0x3FB4] =	sst s0  }
0x18: {  	s0 =	sld [smem:$0x3F97];
	_ =	swait.ge [sflag:s4], $0x0  }
0x19: {  	s7 =	sld [smem:$0x3F98]  }
0x1a: {  	s8 =	sadd.s32 $0xFFFFE003, lr  }
0x1b: {  	s9 =	sadd.s32 $0xFFFFFEF7, lr;
	s5 =	simm.s32 $0xFFFFFFFF;
	p2 =	slt.u32 s8, $0xFFFFF086  }
0x1c: {  	p1 =	slt.u32 s9, $0xF7A;
	s5 =	simm.s32 @!p2 $0x0  }
0x1d: {  	s5 =	simm.s32 @p1 $0x1;
	p0 =	seq.s32 s7, s2  }
0x1e: {  	s7 =	smul.u32 @!p0 $0xF7A, s2;
	p2 =	seq.s32 @!p0 s5, $0x0  }
0x1f: {  	s9 =	smul.u32 $0xF7A, s1;
	s8 =	simm.s32 @!p0 $0x1BF5;
	p2 =	por !p2, p0  }
0x20: {  	[sflag:s8] =	ssyncset.s32 @!p0 $0xFFFFF086;
	s6 =	sadd.s32 @!p0 s3, s7;
	s7 =	simm.s32 @!p0 $0x108  }
0x21: {  	s3 =	sadd.s32 s3, s9;
	s6 =	sadd.s32 @!p0 $0x88, s6;
	s7 =	simm.s32 @p2 $0x1082  }
0x22: {  	[simem:s7], [sflag:s8] =	dma.local @!p0 [hbm:s6], $0xF7A  }
0x23: {  	s9 =	sor.u32 $0xD0000000, s2;
	s6 =	simm.s32 $0x108;
	_ =	swait.ge @!p0 [sflag:s8], $0x0  }
0x24: {  	s3 =	sadd.s32 $0x88, s3;
	s6 =	simm.s32 @!p1 $0x1082;
	[sflag:s4] =	ssyncset.s32 $0xFFFFF086  }
0x25: {  	[simem:s6], [sflag:s4] =	dma.local [hbm:s3], $0xF7A  }
0x26: {  	[smem:$0x3F98] =	sst s1;
	(tag) =	ssettag s2;
	_ =	strace s9  }
0x27: {  	s1 =	sld [smem:$0x3FA8]  }
0x28: {  	s2 =	sld [smem:$0x3FA9]  }
0x29: {  	s4 =	sld [smem:$0x3FAB]  }
0x2a: {  	p0 =	seq.s32 s5, $0x0;
	s5 =	sld [smem:$0x3FAC]  }
0x2b: {  	s6 =	sld [smem:$0x3FAD]  }
0x2c: {  	s7 =	sld [smem:$0x3FAE]  }
0x2d: {  	s3 =	simm.s32 $0x108;
	s8 =	sld [smem:$0x3FAF]  }
0x2e: {  	s3 =	simm.s32 @!p0 $0x1082;
	s9 =	sld [smem:$0x3FB0]  }
0x2f: {  	lr =	sadd.s32 s0, s3;
	s0 =	sld [smem:$0x3FA7]  }
0x30: {  	s3 =	sld [smem:$0x3FAA]  }
0x31: {  	[smem:$0x3FB3] =	sst s10  }
0x32: {  	s10 =	sld [smem:$0x3FB1];
	_ =	sdelay $0x3  }
0x33: {  	p0 =	seq.s32 s10, $0x1;
	s10 =	sld [smem:$0x3FB3];
	_ =	sdelay $0x3  }
0x34: {  	[smem:$0x3FB3] =	sst s10  }
0x35: {  	s10 =	sld [smem:$0x3FB2];
	_ =	sdelay $0x3  }
0x36: {  	p1 =	seq.s32 s10, $0x1;
	s10 =	sld [smem:$0x3FB3];
	_ =	sdelay $0x3  }
0x37: {  	[smem:$0x3FB3] =	sst s10  }
0x38: {  	s10 =	sld [smem:$0x3FB4]  }
0x39: {  	_ = 	snop;
	(pc) =	sbr.ind lr, $3  }
0x3a: {  	_ = 	snop  }
0x3b: {  	_ = 	snop  }
0x3c: {  	p2 =	seq.s32 s10, $0x1;
	s10 =	sld [smem:$0x3FB3]  }
0x3d: {  	_ =	shalt  }
0x3e: {  	_ =	shalt  }
0x3f: {  	_ =	shalt  }
0x40: {  	_ =	shalt  }
0x41: {  	_ =	shalt  }
0x42: {  	_ =	shalt  }
0x43: {  	_ =	shalt  }
0x44: {  	_ =	shalt  }
0x45: {  	_ =	shalt  }
0x46: {  	_ =	shalt  }
0x47: {  	_ =	shalt  }
0x48: {  	_ =	shalt  }
0x49: {  	_ =	shalt  }
0x4a: {  	_ =	shalt  }
0x4b: {  	_ =	shalt  }
0x4c: {  	_ =	shalt  }
0x4d: {  	_ =	shalt  }
0x4e: {  	_ =	shalt  }
0x4f: {  	_ =	shalt  }
0x50: {  	_ =	shalt  }
0x51: {  	_ =	shalt  }
0x52: {  	_ =	shalt  }
0x53: {  	_ =	shalt  }
0x54: {  	_ =	shalt  }
0x55: {  	_ =	shalt  }
0x56: {  	_ =	shalt  }
0x57: {  	_ =	shalt  }
0x58: {  	_ =	shalt  }
0x59: {  	_ =	shalt  }
0x5a: {  	_ =	shalt  }
0x5b: {  	_ =	shalt  }
0x5c: {  	_ =	shalt  }
0x5d: {  	_ =	shalt  }
0x5e: {  	_ =	shalt  }
0x5f: {  	_ =	shalt  }
0x60: {  	_ =	shalt  }
0x61: {  	_ =	shalt  }
0x62: {  	_ =	shalt  }
0x63: {  	_ =	shalt  }
0x64: {  	_ =	shalt  }
0x65: {  	_ =	shalt  }
0x66: {  	_ =	shalt  }
0x67: {  	_ =	shalt  }
0x68: {  	_ =	shalt  }
0x69: {  	_ =	shalt  }
0x6a: {  	_ =	shalt  }
0x6b: {  	_ =	shalt  }
0x6c: {  	_ =	shalt  }
0x6d: {  	_ =	shalt  }
0x6e: {  	_ =	shalt  }
0x6f: {  	_ =	shalt  }
0x70: {  	_ =	shalt  }
0x71: {  	_ =	shalt  }
0x72: {  	_ =	shalt  }
0x73: {  	_ =	shalt  }
0x74: {  	_ =	shalt  }
0x75: {  	_ =	shalt  }
0x76: {  	_ =	shalt  }
0x77: {  	_ =	shalt  }
0x78: {  	_ =	shalt  }
0x79: {  	_ =	shalt  }
0x7a: {  	_ =	shalt  }
0x7b: {  	_ =	shalt  }
0x7c: {  	_ =	shalt  }
0x7d: {  	_ =	shalt  }
0x7e: {  	_ =	shalt  }
0x7f: {  	_ =	shalt  }
0x80: {  	_ =	shalt  }
0x81: {  	_ =	shalt  }
0x82: {  	_ =	shalt  }
0x83: {  	_ =	shalt  }
0x84: {  	_ =	shalt  }
0x85: {  	_ =	shalt  }
0x86: {  	_ =	shalt  }
0x87: {  	_ =	shalt  }
.Lfunc_end0:
.L_simem_size_0:
called_computation_lowered:
.L_overlay_start_0:
0x88: {  	s2 =	sld [smem:$0x3FD9]  }
0x89: {  	s3 =	sld [smem:$0x3FFE];
	_ =	sdelay $0x1  }
0x8a: {  	s1 =	srdreg.scid  }
0x8b: {  	s0 =	sand.u32 $0x1, s1  }
0x8c: {  	s17 =	sshll.u32 s0, $0xA;
	s2 =	sadd.s32 s3, s2  }
0x8d: {  	s2 =	sadd.s32 s2, s17  }
0x8e: {  	[smem:$0x3FBF] =	sst s2  }
0x8f: {  	_ = 	snop  }
0x90: {  	s2 =	sld [smem:$0x3FD0];
	(tm) =	ssettm $0x1  }
0x91: {  	s18 =	sld [smem:$0x3FFB];
	_ =	sdelay $0x3  }
0x92: {  	_ =	strace s18  }
0x93: {  	s3 =	sld [smem:$0x3FFC];
	_ =	sdelay $0x3  }
0x94: {  	_ =	strace s3  }
0x95: {  	s3 =	sld [smem:$0x3FFD];
	_ =	sdelay $0x3  }
0x96: {  	_ =	strace s3  }
0x97: {  	_ =	strace $0x8FFFFFFF  }
0x98: {  	s19 =	sld [smem:$0x3FDB];
	_ =	sdelay $0x1  }
0x99: {  	s4 =	simm.s32 $_scs_section_size  }
0x9a: {  	s5 =	simm.s32 $_size__tile_overlayer_lowered;
	s6 =	simm.s32 $_tile_overlayer_lowered  }
0x9b: {  	s22 =	simm.s32 $0x1BFF;
	s21 =	sshll.u32 s6, $0x1;
	s3 =	sadd.s32 s4, s19  }
0x9c: {  	s7 =	simm.s32 $0x0;
	s20 =	sshll.u32 s5, $0x1;
	s5 =	sadd.s32 s21, s3  }
0x9d: {  	[timem:s7], [sflag:s22] =	dma.local [hbm:s5], s20  }
0x9e: {  	_ =	swait.ge [sflag:s22], s20  }
0x9f: {  	s4 =	ssub.s32 $0x0, s20;
	[sflag:s22] =	ssyncset.done $0x0  }
0xa0: {  	[sflag:s22] =	ssyncadd.s32 s4;
	_ =	sdelay $0x1  }
0xa1: {  	s23 =	simm.s32 $0x1B8B  }
0xa2: {  	_ =	swait.ge [sflag:s23], $0x1  }
0xa3: {  	[sflag:s23] =	ssyncset.done $0x0  }
0xa4: {  	s25 =	simm.s32 $0x1B8E;
	s24 =	sld [smem:$0x3FFE];
	[sflag:s23] =	ssyncadd.s32 $0xFFFFFFFF  }
0xa5: {  	s26 =	simm.s32 $execute0_lowered;
	[smem:$0x3FD2] =	sst s25  }
0xa6: {  	s5 =	sshll.u32 s26, $0x1;
	_ =	strace $0x80000046;
	[dreg:$0x1] =	wrdreg $0xFFFFFFFF  }
0xa7: {  	s28 =	simm.s32 $_size_execute0_lowered;
	s3 =	sadd.s32 s3, s5;
	[dreg:$0x0] =	wrdreg $0x0  }
0xa8: {  	s5 =	sshll.u32 s28, $0x1;
	[dreg:$0x2] =	wrdreg s3  }
0xa9: {  	[dreg:$0x3] =	wrdreg s5  }
0xaa: {  	[dreg:$0x4] =	wrdreg $0xC0  }
0xab: {  	_ =	task [dreg:s7], $0x5FFFF  }
0xac: {  	[dreg:$0x1] =	wrdreg $0xFFFFFFFF  }
0xad: {  	[dreg:$0x0] =	wrdreg $0x60  }
0xae: {  	[dreg:$0x2] =	wrdreg s24  }
0xaf: {  	[dreg:$0x3] =	wrdreg s2  }
0xb0: {  	[dreg:$0x4] =	wrdreg $0x9  }
0xb1: {  	_ =	task.clear_ibuf [dreg:s7], $0x5FFFF;
	_ =	strace $0x90000046  }
0xb2: {  	s29 =	simm.s32 $0x9;
	_ =	strace $0x80000048  }
0xb3: {  	_ =	swait.ge [sflag:s29], $0x1  }
0xb4: {  	[sflag:s29] =	ssyncadd.s32 $0xFFFFFFFF  }
0xb5: {  	_ =	strace $0x90000048  }
0xb6: {  	_ =	sfence  }
0xb7: {  	s30 =	sld [smem:$0x0];
	_ =	sdelay $0x2  }
0xb8: {  	s31 =	sshll.u32 s1, $0xD;
	s1 =	sshrl.u32 s1, $0x2  }
0xb9: {  	s3 =	sand.u32 $0x4000, s31;
	s1 =	sadd.s32 s1, s30  }
0xba: {  	s0 =	sor.u32 s3, s0;
	s1 =	sshll.u32 s1, $0x11  }
0xbb: {  	s0 =	sor.u32 s1, s0  }
0xbc: {  	s0 =	sadd.s32 $0x8F2B, s0  }
0xbd: {  	[sflag:s0] =	ssyncadd.remote.s32 $0x1  }
0xbe: {  	_ =	sfence.sel $0xFFFF  }
0xbf: {  	[dreg:$0x0] =	wrdreg $0xFFFFFFFF;
	(pc) =	sbr.abs _section_cstart, $3  }
0xc0: {  	[dreg:$0x1] =	wrdreg $0xFFFFFFFF  }
0xc1: {  	_ =	task.clear_ibuf [dreg:s7], $0x2FFFF;
	_ =	strace $0x9FFFFFFF  }
0xc2: {  	(tm) =	ssettm $0x7FFFFFFF  }
0xc3: {  	_ =	shalt  }
tec
execute0_lowered:
.L_overlay_start_1:
0x0: {  	(tag) =	ssettag $0x1  }
0x1: {  	s1 =	srdreg.scid;
	s0 =	stileid.u32  }
0x2: {  	s3 =	rddreg [dreg:$0x0];
	s11 =	sand.u32 $0x1, s1;
	s29 =	sshll.u32 s0, $0x1  }
0x3: {  	s12 =	rddreg [dreg:$0x1];
	s13 =	sor.u32 s11, s29  }
0x4: {  	s2 =	simm.s32 $0x0;
	s1 =	rddreg [dreg:$0x2];
	s4 =	sshll.u32 s13, $0xF  }
0x5: {  	[smem:$0x7FF] =	sst s2;
	s14 =	sadd.s32 s4, s3  }
0x6: {  	_ =	strace $0x80000047;
	s3 =	simm.s32 $0x1;
	s4 =	sadd.s32 $0xC00, s14  }
0x7: {  	[tilespmem:s2], [sflag:$0x1] =	stream.linear.gather [hbm4b:s4+s2], $0x8000, $0x38;
	[tilespmem:$0x8000] =	vst v63  }
0x8: {  	_ =	swait.ge [sflag:s3], $0x8000  }
0x9: {  	[sflag:s3] =	ssyncset.done $0x0  }
0xa: {  	s5 =	sadd.s32 $0x1C00, s14;
	[sflag:s3] =	ssyncadd.s32 $0xFFFF8000  }
0xb: {  	[tilespmem:s2], [sflag:$0x1] =	stream.linear.gather [hbm4b:s5+s2], $0x8000, $0x38;
	[tilespmem:$0x8000] =	vst v63  }
0xc: {  	_ =	swait.ge [sflag:s3], $0x8000  }
0xd: {  	[sflag:s3] =	ssyncset.done $0x0  }
0xe: {  	s6 =	sadd.s32 $0x2C00, s14;
	[sflag:s3] =	ssyncadd.s32 $0xFFFF8000  }
0xf: {  	[tilespmem:s2], [sflag:$0x1] =	stream.linear.gather [hbm4b:s6+s2], $0x8000, $0x38;
	[tilespmem:$0x8000] =	vst v63  }
0x10: {  	_ =	swait.ge [sflag:s3], $0x8000  }
0x11: {  	[sflag:s3] =	ssyncset.done $0x0  }
0x12: {  	s7 =	sadd.s32 $0x3C00, s14;
	[sflag:s3] =	ssyncadd.s32 $0xFFFF8000  }
0x13: {  	[tilespmem:s2], [sflag:$0x1] =	stream.linear.gather [hbm4b:s7+s2], $0x8000, $0x38;
	[tilespmem:$0x8000] =	vst v63  }
0x14: {  	_ =	swait.ge [sflag:s3], $0x8000  }
0x15: {  	[sflag:s3] =	ssyncset.done $0x0  }
0x16: {  	s8 =	sadd.s32 $0x4C00, s14;
	[sflag:s3] =	ssyncadd.s32 $0xFFFF8000  }
0x17: {  	[tilespmem:s2], [sflag:$0x1] =	stream.linear.gather [hbm4b:s8+s2], $0x8000, $0x38;
	[tilespmem:$0x8000] =	vst v63  }
0x18: {  	_ =	swait.ge [sflag:s3], $0x8000  }
0x19: {  	[sflag:s3] =	ssyncset.done $0x0  }
0x1a: {  	s9 =	sadd.s32 $0x5C00, s14;
	[sflag:s3] =	ssyncadd.s32 $0xFFFF8000  }
0x1b: {  	[tilespmem:s2], [sflag:$0x1] =	stream.linear.gather [hbm4b:s9+s2], $0x8000, $0x38;
	[tilespmem:$0x8000] =	vst v63  }
0x1c: {  	_ =	swait.ge [sflag:s3], $0x8000  }
0x1d: {  	[sflag:s3] =	ssyncset.done $0x0  }
0x1e: {  	s10 =	sadd.s32 $0x6C00, s14;
	[sflag:s3] =	ssyncadd.s32 $0xFFFF8000  }
0x1f: {  	[tilespmem:s2], [sflag:$0x1] =	stream.linear.gather [hbm4b:s10+s2], $0x8000, $0x38;
	[tilespmem:$0x8000] =	vst v63  }
0x20: {  	s16 =	sshll.u32 s0, $0x6;
	s15 =	ssub.s32 $0x2, s11;
	_ =	swait.ge [sflag:s3], $0x8000  }
0x21: {  	s30 =	sand.u32 $0x300, s16;
	s13 =	sshll.u32 s13, $0x4;
	[sflag:s3] =	ssyncset.done $0x0  }
0x22: {  	s31 =	sshrl.u32 s15, $0x1;
	s11 =	sadd.s32 $0x7C00, s14;
	[sflag:s3] =	ssyncadd.s32 $0xFFFF8000  }
0x23: {  	[tilespmem:s2], [sflag:$0x1] =	stream.linear.gather [hbm4b:s11+s2], $0x8000, $0x38;
	[tilespmem:$0x8000] =	vst v63  }
0x24: {  	s12 =	sadd.s32 s12, s30;
	s14 =	ssub.s32 s15, s31;
	_ =	swait.ge [sflag:s3], $0x8000  }
0x25: {  	s13 =	sand.u32 $0x70, s13;
	s15 =	smax.u32 s14, $0x1;
	[sflag:s3] =	ssyncset.done $0x0  }
0x26: {  	s12 =	sadd.s32 s13, s12;
	p0 =	sne.s32 s15, $0x1;
	[sflag:s3] =	ssyncadd.s32 $0xFFFF8000  }
0x27: {  	[hbm4b:s12+s2] =	stream.linear.scatter [tilespmem:s2], [sflag:$0x1], $0x80, $0x38;
	[tilespmem:$0x8000] =	vst v63  }
.Ltmp0:
0x28: {  	_ = 	snop;
	(pc) =	sbr.rel @!p0 .LBB2_2-.Ltmp0, $4  }
0x29: {  	s13 =	sadd.s32 $0x80, s12;
	s14 =	simm.s32 $0x400  }
0x2a: {  	[hbm4b:s13+s2] =	stream.linear.scatter [tilespmem:s14], [sflag:$0x1], $0x80, $0x38;
	[tilespmem:$0x8000] =	vst v63  }
0x2b: {  	_ =	swait.ge [sflag:s3], $0x100  }
0x2c: {  	s15 =	sadd.s32 $0xFFFFFFFF, s15;
	[sflag:s3] =	ssyncset.done $0x0  }
.LBB2_1:
0x2d: {  	p0 =	sne.s32 s15, $0x1;
	s15 =	sadd.s32 $0xFFFFFFFF, s15;
	[sflag:s3] =	ssyncadd.s32 $0xFFFFFF00  }
0x2e: {  	_ = 	snop  }
0x2f: {  	[tilespmem:s2], [sflag:$0x1] =	stream.linear.gather [hbm4b:s4+s2], $0x8000, $0x38;
	[tilespmem:$0x8000] =	vst v63  }
0x30: {  	_ =	swait.ge [sflag:s3], $0x8000  }
0x31: {  	[sflag:s3] =	ssyncset.done $0x0  }
0x32: {  	[sflag:s3] =	ssyncadd.s32 $0xFFFF8000  }
0x33: {  	[tilespmem:s2], [sflag:$0x1] =	stream.linear.gather [hbm4b:s5+s2], $0x8000, $0x38;
	[tilespmem:$0x8000] =	vst v63  }
0x34: {  	_ =	swait.ge [sflag:s3], $0x8000  }
0x35: {  	[sflag:s3] =	ssyncset.done $0x0  }
0x36: {  	[sflag:s3] =	ssyncadd.s32 $0xFFFF8000  }
0x37: {  	[tilespmem:s2], [sflag:$0x1] =	stream.linear.gather [hbm4b:s6+s2], $0x8000, $0x38;
	[tilespmem:$0x8000] =	vst v63  }
0x38: {  	_ =	swait.ge [sflag:s3], $0x8000  }
0x39: {  	[sflag:s3] =	ssyncset.done $0x0  }
0x3a: {  	[sflag:s3] =	ssyncadd.s32 $0xFFFF8000  }
0x3b: {  	[tilespmem:s2], [sflag:$0x1] =	stream.linear.gather [hbm4b:s7+s2], $0x8000, $0x38;
	[tilespmem:$0x8000] =	vst v63  }
0x3c: {  	_ =	swait.ge [sflag:s3], $0x8000  }
0x3d: {  	[sflag:s3] =	ssyncset.done $0x0  }
0x3e: {  	[sflag:s3] =	ssyncadd.s32 $0xFFFF8000  }
0x3f: {  	[tilespmem:s2], [sflag:$0x1] =	stream.linear.gather [hbm4b:s8+s2], $0x8000, $0x38;
	[tilespmem:$0x8000] =	vst v63  }
0x40: {  	_ =	swait.ge [sflag:s3], $0x8000  }
0x41: {  	[sflag:s3] =	ssyncset.done $0x0  }
0x42: {  	[sflag:s3] =	ssyncadd.s32 $0xFFFF8000  }
0x43: {  	[tilespmem:s2], [sflag:$0x1] =	stream.linear.gather [hbm4b:s9+s2], $0x8000, $0x38;
	[tilespmem:$0x8000] =	vst v63  }
0x44: {  	_ =	swait.ge [sflag:s3], $0x8000  }
0x45: {  	[sflag:s3] =	ssyncset.done $0x0  }
0x46: {  	[sflag:s3] =	ssyncadd.s32 $0xFFFF8000  }
0x47: {  	[tilespmem:s2], [sflag:$0x1] =	stream.linear.gather [hbm4b:s10+s2], $0x8000, $0x38;
	[tilespmem:$0x8000] =	vst v63  }
0x48: {  	_ =	swait.ge [sflag:s3], $0x8000  }
0x49: {  	[sflag:s3] =	ssyncset.done $0x0  }
0x4a: {  	[sflag:s3] =	ssyncadd.s32 $0xFFFF8000  }
0x4b: {  	[tilespmem:s2], [sflag:$0x1] =	stream.linear.gather [hbm4b:s11+s2], $0x8000, $0x38;
	[tilespmem:$0x8000] =	vst v63  }
0x4c: {  	_ =	swait.ge [sflag:s3], $0x8000  }
0x4d: {  	[sflag:s3] =	ssyncset.done $0x0  }
0x4e: {  	[sflag:s3] =	ssyncadd.s32 $0xFFFF8000  }
0x4f: {  	[hbm4b:s12+s2] =	stream.linear.scatter [tilespmem:s2], [sflag:$0x1], $0x80, $0x38;
	[tilespmem:$0x8000] =	vst v63  }
.Ltmp1:
0x50: {  	_ = 	snop;
	(pc) =	sbr.rel @p0 .LBB2_1-.Ltmp1, $4  }
0x51: {  	_ = 	snop  }
0x52: {  	[hbm4b:s13+s2] =	stream.linear.scatter [tilespmem:s14], [sflag:$0x1], $0x80, $0x38;
	[tilespmem:$0x8000] =	vst v63  }
0x53: {  	_ =	swait.ge [sflag:s3], $0x100  }
0x54: {  	[sflag:s3] =	ssyncset.done $0x0  }
.LBB2_2:
0x55: {  	[sflag:s3] =	ssyncadd.s32 $0xFFFFFF00  }
0x56: {  	_ =	sfence.sel $0x180000  }
0x57: {  	[bflag:$0x0] =	sbarrier.arrive $0xFFFF  }
0x58: {  	p0 =	sne.s32 s0, $0x0;
	_ =	strace $0x90000047  }
0x59: {  	s0 =	sadd.s32 @!p0 $0x100000, s1;
	[bflag:$0x2] =	sbarrier.arrive $0xFFFF  }
0x5a: {  	[sflag:s0] =	ssyncadd.tile.s32 @!p0 $0x1;
	_ =	shalt  }
.Lfunc_end2:
_tile_overlayer_lowered:
.L_overlay_start_2:
0x5b: {  	(tag) =	ssettag $0x2  }
0x5c: {  	s0 =	rddreg [dreg:$0x0];
	s2 =	stileid.u32  }
0x5d: {  	s1 =	rddreg [dreg:$0x1];
	p0 =	sne.s32 s2, $0x0  }
0x5e: {  	s3 =	rddreg [dreg:$0x2];
	[bflag:$0x3] =	sbarrier.arrive $0xFFFF;
	s2 =	simm.s32 @!p0 $0x1C01  }
0x5f: {  	[timem:s3], [sflag:s2] =	dma.local @!p0 [hbm:s0], s1  }
0x60: {  	s0 =	simm.s32 @!p0 $0x1  }
0x61: {  	_ =	swait.ge @!p0 [sflag:s0], s1  }
0x62: {  	s1 =	ssub.s32 @!p0 $0x0, s1;
	[sflag:s0] =	ssyncset.done @!p0 $0x0  }
0x63: {  	[sflag:s0] =	ssyncadd.s32 @!p0 s1  }
0x64: {  	[bflag:$0x3] =	sbarrier.arrive $0xFFFF  }
0x65: {  	_ =	shalt  }

</sc_bundles>
